<compile_context>
chip_gen: v7x
topology: tpu7x:2x2x1
jax: 0.10.2.dev20260603
libtpu: 0.0.44.dev20260713+nightly
codegen_flags: <defaults>
</compile_context>

<pallas_src>
import functools
import jax
import jax.numpy as jnp
from jax import lax
from jax.experimental import pallas as pl
from jax.experimental.pallas import tpu as pltpu
from jax.experimental.pallas import tpu_sc as plsc

_N_VOCAB = 1000
_HIDDEN = 128
_B = 1024
_T = 200

_NW = 32
_N = _B * _T
_RPW = _B // _NW
_NCH = 2 * _RPW
_C0, _C1 = 128, _T - 128
_NBUF = 8
_AHEAD = 4
_NGRP = _NCH // _NBUF


def _gather_sc(x, emb):
    mesh = plsc.VectorSubcoreMesh(core_axis_name="c", subcore_axis_name="s")
    sizes = [_C0 if k % 2 == 0 else _C1 for k in range(_NBUF)]
    offs = [0 if k % 2 == 0 else _C0 for k in range(_NBUF)]

    @functools.partial(
        pl.kernel,
        mesh=mesh,
        out_type=jax.ShapeDtypeStruct((_N, _HIDDEN), jnp.float32),
        scratch_types=(
            [pltpu.VMEM((_RPW, _T), jnp.int32),
             pltpu.VMEM_SHARED((2, _N_VOCAB, _HIDDEN), jnp.float32)]
            + [pltpu.VMEM((sizes[k], _HIDDEN), jnp.float32) for k in range(_NBUF)]
            + [pltpu.SemaphoreType.DMA] * (2 * _NBUF)
        ),
    )
    def k(x_hbm, emb_hbm, out_hbm, idx_v, emb_sh, *bufs_sems):
        rows = bufs_sems[:_NBUF]
        gsem = bufs_sems[_NBUF:2 * _NBUF]
        osem = bufs_sems[2 * _NBUF:]

        sid = lax.axis_index("s")
        wid = sid * 2 + lax.axis_index("c")
        rowbase = wid * _RPW
        outbase = rowbase * _T

        par = lax.rem(sid, 2)

        @pl.when(sid < 2)
        def _():
            pltpu.sync_copy(emb_hbm, emb_sh.at[sid])

        pltpu.sync_copy(x_hbm.at[pl.ds(rowbase, _RPW)], idx_v)
        plsc.subcore_barrier()

        def idx_slice(m, k):
            return idx_v.at[m // 2, pl.ds(offs[k % _NBUF], sizes[k % _NBUF])]

        def out_slice(m, k):
            return out_hbm.at[
                pl.ds(outbase + (m // 2) * _T + offs[k % _NBUF],
                      sizes[k % _NBUF])]

        def fire_gather(m, k):
            pltpu.make_async_copy(emb_sh.at[par].at[idx_slice(m, k)],
                                  rows[k % _NBUF], gsem[k % _NBUF]).start()

        for m in range(_AHEAD):
            fire_gather(m, m)

        def outer(g, carry):
            for k in range(_NBUF):
                m = g * _NBUF + k
                mn = m + _AHEAD
                kn = (k + _AHEAD) % _NBUF

                @pl.when(jnp.logical_and(mn < _NCH, m >= _AHEAD))
                def _():
                    pltpu.make_async_copy(rows[kn], out_slice(m - _AHEAD, kn),
                                          osem[kn]).wait()

                @pl.when(mn < _NCH)
                def _():
                    fire_gather(mn, kn)

                pltpu.make_async_copy(emb_sh.at[par].at[idx_slice(m, k)],
                                      rows[k], gsem[k]).wait()
                pltpu.make_async_copy(rows[k], out_slice(m, k),
                                      osem[k]).start()
            return carry

        lax.fori_loop(0, _NGRP, outer, 0)

        for k in range(_NBUF):
            m = _NCH - _NBUF + k
            pltpu.make_async_copy(rows[k], out_slice(m, k), osem[k]).wait()

    return k(x, emb)


def _mask_tc(x_lengths):
    def mask_kernel(len_ref, out_ref):
        t_idx = lax.broadcasted_iota(jnp.int32, (_B, _T), 1)
        lens = len_ref[...].reshape(_B, 1)
        out_ref[...] = (t_idx < lens).astype(jnp.float32)

    m = pl.pallas_call(
        mask_kernel,
        out_shape=jax.ShapeDtypeStruct((_B, _T), jnp.float32),
    )(x_lengths.reshape(_B, 1))
    return m[:, None, :]


def kernel(x, x_lengths, emb):
    x_emb = _gather_sc(x.astype(jnp.int32), emb).reshape(_B, _T, _HIDDEN)
    x_mask = _mask_tc(x_lengths)
    return (x_mask, x_emb)

# --- scband reference (transcript-rebuilt; emitter-appended) ---
"""Pipeline reference for scband-text-embedder-for-pitch-9594956939776 (READ-ONLY COPY).

The authoritative reference and input builder live on the scoring server;
editing this copy changes nothing except your own understanding.
"""

import math
import jax, jax.numpy as jnp
import numpy as np

N_VOCAB = 1000
HIDDEN = 128
B = 1024
T = 200

def setup_inputs(seed: int = 0) -> dict:
    key = jax.random.key(seed)
    k1, k2, k3 = jax.random.split(key, 3)
    x = jax.random.randint(k1, (B, T), 0, N_VOCAB, dtype=jnp.int64) if jax.config.jax_enable_x64 else jax.random.randint(k1, (B, T), 0, N_VOCAB, dtype=jnp.int32)
    x_lengths = jax.random.randint(k2, (B,), 0, T, dtype=jnp.int32)
    emb = jax.random.normal(k3, (N_VOCAB, HIDDEN), dtype=jnp.float32) * 0.02
    return {"x": x, "x_lengths": x_lengths, "emb": emb}

def reference(x, x_lengths, emb):
    # x_emb = self.emb(x)
    x_emb = jnp.take(emb, x, axis=0)  # [B, T, H]
    # x = x_emb * sqrt(hidden_channels)
    xs = x_emb * math.sqrt(HIDDEN)
    # lang_emb is None -> skip concat
    # x = transpose(x, 1, -1)
    xt = jnp.transpose(xs, (0, 2, 1))  # [B, H, T]
    # sequence_mask(x_lengths, T) -> [B, T] bool, then unsqueeze dim 1
    t = xt.shape[2]
    seq_mask = jnp.arange(t)[None, :] < x_lengths[:, None]
    x_mask = seq_mask[:, None, :].astype(xt.dtype)  # [B, 1, T]
    return (x_mask, x_emb)

if __name__ == "__main__":
    import jax
    _d = setup_inputs()
    print(jax.jit(kernel)(*tuple(_d.values())))

</pallas_src>

<mosaic_0001>
#map = affine_map<(d0, d1) -> (0, 0)>
module attributes {stable_mosaic.version = 14 : i64} {
  func.func @k(%arg0: i32, %arg1: i32, %arg2: memref<1024x200xi32, #tpu.memory_space<hbm>>, %arg3: memref<1000x128xf32, #tpu.memory_space<hbm>>, %arg4: memref<204800x128xf32, #tpu.memory_space<hbm>>, %arg5: memref<32x200xi32, #tpu.memory_space<vmem>>, %arg6: memref<2x1000x128xf32, #tpu.memory_space<vmem_shared>>, %arg7: memref<128x128xf32, #tpu.memory_space<vmem>>, %arg8: memref<72x128xf32, #tpu.memory_space<vmem>>, %arg9: memref<128x128xf32, #tpu.memory_space<vmem>>, %arg10: memref<72x128xf32, #tpu.memory_space<vmem>>, %arg11: memref<128x128xf32, #tpu.memory_space<vmem>>, %arg12: memref<72x128xf32, #tpu.memory_space<vmem>>, %arg13: memref<128x128xf32, #tpu.memory_space<vmem>>, %arg14: memref<72x128xf32, #tpu.memory_space<vmem>>, %arg15: memref<!tpu.dma_semaphore, #tpu.memory_space<semaphore_mem>>, %arg16: memref<!tpu.dma_semaphore, #tpu.memory_space<semaphore_mem>>, %arg17: memref<!tpu.dma_semaphore, #tpu.memory_space<semaphore_mem>>, %arg18: memref<!tpu.dma_semaphore, #tpu.memory_space<semaphore_mem>>, %arg19: memref<!tpu.dma_semaphore, #tpu.memory_space<semaphore_mem>>, %arg20: memref<!tpu.dma_semaphore, #tpu.memory_space<semaphore_mem>>, %arg21: memref<!tpu.dma_semaphore, #tpu.memory_space<semaphore_mem>>, %arg22: memref<!tpu.dma_semaphore, #tpu.memory_space<semaphore_mem>>, %arg23: memref<!tpu.dma_semaphore, #tpu.memory_space<semaphore_mem>>, %arg24: memref<!tpu.dma_semaphore, #tpu.memory_space<semaphore_mem>>, %arg25: memref<!tpu.dma_semaphore, #tpu.memory_space<semaphore_mem>>, %arg26: memref<!tpu.dma_semaphore, #tpu.memory_space<semaphore_mem>>, %arg27: memref<!tpu.dma_semaphore, #tpu.memory_space<semaphore_mem>>, %arg28: memref<!tpu.dma_semaphore, #tpu.memory_space<semaphore_mem>>, %arg29: memref<!tpu.dma_semaphore, #tpu.memory_space<semaphore_mem>>, %arg30: memref<!tpu.dma_semaphore, #tpu.memory_space<semaphore_mem>>) attributes {dimension_semantics = [#tpu.dimension_semantics<core_parallel>, #tpu.dimension_semantics<subcore_parallel>], iteration_bounds = array<i64: 2, 16>, scalar_prefetch = 0 : i64, scratch_operands = 26 : i64, tpu.core_type = #tpu.core_type<sc_vector_subcore>, window_params = [{transform_indices = #map}, {transform_indices = #map}, {transform_indices = #map}]} {
    %mul3A = arith.constant 2 : i32
    %mul3A_0 = arith.muli %arg1, %mul3A : i32
    %add3A = arith.addi %mul3A_0, %arg0 : i32
    %mul3A_1 = arith.constant 32 : i32
    %mul3A_2 = arith.muli %add3A, %mul3A_1 : i32
    %mul3A_3 = arith.constant 200 : i32
    %mul3A_4 = arith.muli %mul3A_2, %mul3A_3 : i32
    %rem3A = arith.constant 2 : i32
    %rem3A_5 = arith.remsi %arg1, %rem3A : i32
    %lt3A = arith.constant 2 : i32
    %lt3A_6 = arith.cmpi slt, %arg1, %lt3A : i32
    %convert_element_type3A = arith.extui %lt3A_6 : i1 to i32
    %cond3A = arith.constant 0 : i32
    %cond3A_7 = arith.cmpi ne, %convert_element_type3A, %cond3A : i32
    scf.if %cond3A_7 {
      "tpu.region"() ({
        %run_scoped3A = tpu.sem_alloc : memref<!tpu.dma_semaphore, #tpu.memory_space<semaphore_mem>>
        %dma_start3A_119 = arith.constant 0 : i32
        %dma_start3A_120 = arith.constant 0 : i32
        %dma_start3A_121 = tpu.memref_slice %arg6[%arg1, %dma_start3A_119, %dma_start3A_120] : memref<2x1000x128xf32, #tpu.memory_space<vmem_shared>> -> memref<1x1000x128xf32, #tpu.memory_space<vmem_shared>>
        %dma_start3A_122 = tpu.memref_squeeze %dma_start3A_121 : memref<1x1000x128xf32, #tpu.memory_space<vmem_shared>> -> memref<1000x128xf32, #tpu.memory_space<vmem_shared>>
        tpu.enqueue_dma source(%arg3 : memref<1000x128xf32, #tpu.memory_space<hbm>>) target(%dma_start3A_122 : memref<1000x128xf32, #tpu.memory_space<vmem_shared>>) target_semaphore(%run_scoped3A : memref<!tpu.dma_semaphore, #tpu.memory_space<semaphore_mem>>)
        %dma_wait3A_123 = arith.constant 0 : i32
        %dma_wait3A_124 = arith.constant 0 : i32
        %dma_wait3A_125 = tpu.memref_slice %arg6[%arg1, %dma_wait3A_123, %dma_wait3A_124] : memref<2x1000x128xf32, #tpu.memory_space<vmem_shared>> -> memref<1x1000x128xf32, #tpu.memory_space<vmem_shared>>
        %dma_wait3A_126 = tpu.memref_squeeze %dma_wait3A_125 : memref<1x1000x128xf32, #tpu.memory_space<vmem_shared>> -> memref<1000x128xf32, #tpu.memory_space<vmem_shared>>
        tpu.wait_dma2 semaphore(%run_scoped3A : memref<!tpu.dma_semaphore, #tpu.memory_space<semaphore_mem>>) src(%arg3 : memref<1000x128xf32, #tpu.memory_space<hbm>>) dst(%dma_wait3A_126 : memref<1000x128xf32, #tpu.memory_space<vmem_shared>>)
        tpu.yield
      }) : () -> ()
    } else {
    }
    "tpu.region"() ({
      %run_scoped3A = tpu.sem_alloc : memref<!tpu.dma_semaphore, #tpu.memory_space<semaphore_mem>>
      %dma_start3A_119 = arith.constant 0 : i32
      %dma_start3A_120 = tpu.memref_slice %arg2[%mul3A_2, %dma_start3A_119] : memref<1024x200xi32, #tpu.memory_space<hbm>> -> memref<32x200xi32, #tpu.memory_space<hbm>>
      %dma_start3A_121 = arith.constant 0 : i32
      %dma_start3A_122 = tpu.memref_slice %arg2[%mul3A_2, %dma_start3A_121] : memref<1024x200xi32, #tpu.memory_space<hbm>> -> memref<32x200xi32, #tpu.memory_space<hbm>>
      tpu.enqueue_dma source(%dma_start3A_122 : memref<32x200xi32, #tpu.memory_space<hbm>>) target(%arg5 : memref<32x200xi32, #tpu.memory_space<vmem>>) target_semaphore(%run_scoped3A : memref<!tpu.dma_semaphore, #tpu.memory_space<semaphore_mem>>)
      %dma_wait3A_123 = arith.constant 0 : i32
      %dma_wait3A_124 = tpu.memref_slice %arg2[%mul3A_2, %dma_wait3A_123] : memref<1024x200xi32, #tpu.memory_space<hbm>> -> memref<32x200xi32, #tpu.memory_space<hbm>>
      %dma_wait3A_125 = arith.constant 0 : i32
      %dma_wait3A_126 = tpu.memref_slice %arg2[%mul3A_2, %dma_wait3A_125] : memref<1024x200xi32, #tpu.memory_space<hbm>> -> memref<32x200xi32, #tpu.memory_space<hbm>>
      tpu.wait_dma2 semaphore(%run_scoped3A : memref<!tpu.dma_semaphore, #tpu.memory_space<semaphore_mem>>) src(%dma_wait3A_126 : memref<32x200xi32, #tpu.memory_space<hbm>>) dst(%arg5 : memref<32x200xi32, #tpu.memory_space<vmem>>)
      tpu.yield
    }) : () -> ()
    %barrier3A = arith.constant 0 : index
    tpu.barrier barrier_id(%barrier3A)
    %dma_start3A = arith.constant 0 : i32
    %dma_start3A_8 = arith.constant 0 : i32
    %dma_start3A_9 = tpu.memref_slice %arg5[%dma_start3A, %dma_start3A_8] : memref<32x200xi32, #tpu.memory_space<vmem>> -> memref<1x128xi32, #tpu.memory_space<vmem>>
    %dma_start3A_10 = tpu.memref_squeeze %dma_start3A_9 : memref<1x128xi32, #tpu.memory_space<vmem>> -> memref<128xi32, #tpu.memory_space<vmem>>
    %dma_start3A_11 = arith.constant 0 : i32
    %dma_start3A_12 = arith.constant 0 : i32
    %dma_start3A_13 = tpu.memref_slice %arg6[%rem3A_5, %dma_start3A_11, %dma_start3A_12] : memref<2x1000x128xf32, #tpu.memory_space<vmem_shared>> -> memref<1x1000x128xf32, #tpu.memory_space<vmem_shared>>
    %dma_start3A_14 = tpu.memref_squeeze %dma_start3A_13 : memref<1x1000x128xf32, #tpu.memory_space<vmem_shared>> -> memref<1000x128xf32, #tpu.memory_space<vmem_shared>>
    %dma_start3A_15 = arith.constant 0 : i32
    %dma_start3A_16 = arith.constant 0 : i32
    %dma_start3A_17 = tpu.memref_slice %dma_start3A_14[%dma_start3A_15, %dma_start3A_16] : memref<1000x128xf32, #tpu.memory_space<vmem_shared>> -> memref<1000x128xf32, #tpu.memory_space<vmem_shared>>
    tpu.enqueue_indirect_dma source(%dma_start3A_17 : memref<1000x128xf32, #tpu.memory_space<vmem_shared>>) target(%arg7 : memref<128x128xf32, #tpu.memory_space<vmem>>) offsets(%dma_start3A_10 : memref<128xi32, #tpu.memory_space<vmem>>) semaphore(%arg15 : memref<!tpu.dma_semaphore, #tpu.memory_space<semaphore_mem>>)
    %dma_start3A_18 = arith.constant 0 : i32
    %dma_start3A_19 = arith.constant 128 : i32
    %dma_start3A_20 = tpu.memref_slice %arg5[%dma_start3A_18, %dma_start3A_19] : memref<32x200xi32, #tpu.memory_space<vmem>> -> memref<1x72xi32, #tpu.memory_space<vmem>>
    %dma_start3A_21 = tpu.memref_squeeze %dma_start3A_20 : memref<1x72xi32, #tpu.memory_space<vmem>> -> memref<72xi32, #tpu.memory_space<vmem>>
    %dma_start3A_22 = arith.constant 0 : i32
    %dma_start3A_23 = arith.constant 0 : i32
    %dma_start3A_24 = tpu.memref_slice %arg6[%rem3A_5, %dma_start3A_22, %dma_start3A_23] : memref<2x1000x128xf32, #tpu.memory_space<vmem_shared>> -> memref<1x1000x128xf32, #tpu.memory_space<vmem_shared>>
    %dma_start3A_25 = tpu.memref_squeeze %dma_start3A_24 : memref<1x1000x128xf32, #tpu.memory_space<vmem_shared>> -> memref<1000x128xf32, #tpu.memory_space<vmem_shared>>
    %dma_start3A_26 = arith.constant 0 : i32
    %dma_start3A_27 = arith.constant 0 : i32
    %dma_start3A_28 = tpu.memref_slice %dma_start3A_25[%dma_start3A_26, %dma_start3A_27] : memref<1000x128xf32, #tpu.memory_space<vmem_shared>> -> memref<1000x128xf32, #tpu.memory_space<vmem_shared>>
    tpu.enqueue_indirect_dma source(%dma_start3A_28 : memref<1000x128xf32, #tpu.memory_space<vmem_shared>>) target(%arg8 : memref<72x128xf32, #tpu.memory_space<vmem>>) offsets(%dma_start3A_21 : memref<72xi32, #tpu.memory_space<vmem>>) semaphore(%arg16 : memref<!tpu.dma_semaphore, #tpu.memory_space<semaphore_mem>>)
    %dma_start3A_29 = arith.constant 1 : i32
    %dma_start3A_30 = arith.constant 0 : i32
    %dma_start3A_31 = tpu.memref_slice %arg5[%dma_start3A_29, %dma_start3A_30] : memref<32x200xi32, #tpu.memory_space<vmem>> -> memref<1x128xi32, #tpu.memory_space<vmem>>
    %dma_start3A_32 = tpu.memref_squeeze %dma_start3A_31 : memref<1x128xi32, #tpu.memory_space<vmem>> -> memref<128xi32, #tpu.memory_space<vmem>>
    %dma_start3A_33 = arith.constant 0 : i32
    %dma_start3A_34 = arith.constant 0 : i32
    %dma_start3A_35 = tpu.memref_slice %arg6[%rem3A_5, %dma_start3A_33, %dma_start3A_34] : memref<2x1000x128xf32, #tpu.memory_space<vmem_shared>> -> memref<1x1000x128xf32, #tpu.memory_space<vmem_shared>>
    %dma_start3A_36 = tpu.memref_squeeze %dma_start3A_35 : memref<1x1000x128xf32, #tpu.memory_space<vmem_shared>> -> memref<1000x128xf32, #tpu.memory_space<vmem_shared>>
    %dma_start3A_37 = arith.constant 0 : i32
    %dma_start3A_38 = arith.constant 0 : i32
    %dma_start3A_39 = tpu.memref_slice %dma_start3A_36[%dma_start3A_37, %dma_start3A_38] : memref<1000x128xf32, #tpu.memory_space<vmem_shared>> -> memref<1000x128xf32, #tpu.memory_space<vmem_shared>>
    tpu.enqueue_indirect_dma source(%dma_start3A_39 : memref<1000x128xf32, #tpu.memory_space<vmem_shared>>) target(%arg9 : memref<128x128xf32, #tpu.memory_space<vmem>>) offsets(%dma_start3A_32 : memref<128xi32, #tpu.memory_space<vmem>>) semaphore(%arg17 : memref<!tpu.dma_semaphore, #tpu.memory_space<semaphore_mem>>)
    %dma_start3A_40 = arith.constant 1 : i32
    %dma_start3A_41 = arith.constant 128 : i32
    %dma_start3A_42 = tpu.memref_slice %arg5[%dma_start3A_40, %dma_start3A_41] : memref<32x200xi32, #tpu.memory_space<vmem>> -> memref<1x72xi32, #tpu.memory_space<vmem>>
    %dma_start3A_43 = tpu.memref_squeeze %dma_start3A_42 : memref<1x72xi32, #tpu.memory_space<vmem>> -> memref<72xi32, #tpu.memory_space<vmem>>
    %dma_start3A_44 = arith.constant 0 : i32
    %dma_start3A_45 = arith.constant 0 : i32
    %dma_start3A_46 = tpu.memref_slice %arg6[%rem3A_5, %dma_start3A_44, %dma_start3A_45] : memref<2x1000x128xf32, #tpu.memory_space<vmem_shared>> -> memref<1x1000x128xf32, #tpu.memory_space<vmem_shared>>
    %dma_start3A_47 = tpu.memref_squeeze %dma_start3A_46 : memref<1x1000x128xf32, #tpu.memory_space<vmem_shared>> -> memref<1000x128xf32, #tpu.memory_space<vmem_shared>>
    %dma_start3A_48 = arith.constant 0 : i32
    %dma_start3A_49 = arith.constant 0 : i32
    %dma_start3A_50 = tpu.memref_slice %dma_start3A_47[%dma_start3A_48, %dma_start3A_49] : memref<1000x128xf32, #tpu.memory_space<vmem_shared>> -> memref<1000x128xf32, #tpu.memory_space<vmem_shared>>
    tpu.enqueue_indirect_dma source(%dma_start3A_50 : memref<1000x128xf32, #tpu.memory_space<vmem_shared>>) target(%arg10 : memref<72x128xf32, #tpu.memory_space<vmem>>) offsets(%dma_start3A_43 : memref<72xi32, #tpu.memory_space<vmem>>) semaphore(%arg18 : memref<!tpu.dma_semaphore, #tpu.memory_space<semaphore_mem>>)
    %scan3A = arith.constant 0 : i32
    %scan3A_51 = arith.constant 0 : i32
    %scan3A_52 = arith.constant 8 : i32
    %scan3A_53 = arith.addi %scan3A_51, %scan3A_52 : i32
    %scan3A_54 = arith.constant 1 : i32
    scf.for %scan3A_119 = %scan3A_51 to %scan3A_53 step %scan3A_54  : i32 {
      %mul3A_120 = arith.constant 8 : i32
      %mul3A_121 = arith.muli %scan3A_119, %mul3A_120 : i32
      %add3A_122 = arith.constant 0 : i32
      %add3A_123 = arith.addi %mul3A_121, %add3A_122 : i32
      %add3A_124 = arith.constant 4 : i32
      %add3A_125 = arith.addi %add3A_123, %add3A_124 : i32
      %lt3A_126 = arith.constant 64 : i32
      %lt3A_127 = arith.cmpi slt, %add3A_125, %lt3A_126 : i32
      %ge3A = arith.constant 4 : i32
      %ge3A_128 = arith.cmpi sge, %add3A_123, %ge3A : i32
      %and3A = arith.andi %lt3A_127, %ge3A_128 : i1
      %convert_element_type3A_129 = arith.extui %and3A : i1 to i32
      %cond3A_130 = arith.constant 0 : i32
      %cond3A_131 = arith.cmpi ne, %convert_element_type3A_129, %cond3A_130 : i32
      scf.if %cond3A_131 {
        %sub3A_800 = arith.constant 4 : i32
        %sub3A_801 = arith.subi %add3A_123, %sub3A_800 : i32
        %jit3A_802 = arith.constant 2 : i32
        %div3A_803 = arith.divsi %sub3A_801, %jit3A_802 : i32
        %sign3A_804 = arith.constant 0 : i32
        %sign3A_805 = arith.cmpi sgt, %sub3A_801, %sign3A_804 : i32
        %sign3A_806 = arith.extui %sign3A_805 : i1 to i32
        %sign3A_807 = arith.constant 0 : i32
        %sign3A_808 = arith.cmpi slt, %sub3A_801, %sign3A_807 : i32
        %sign3A_809 = arith.extui %sign3A_808 : i1 to i32
        %sign3A_810 = arith.subi %sign3A_806, %sign3A_809 : i32
        %sign3A_811 = arith.constant 0 : i32
        %sign3A_812 = arith.cmpi sgt, %jit3A_802, %sign3A_811 : i32
        %sign3A_813 = arith.extui %sign3A_812 : i1 to i32
        %sign3A_814 = arith.constant 0 : i32
        %sign3A_815 = arith.cmpi slt, %jit3A_802, %sign3A_814 : i32
        %sign3A_816 = arith.extui %sign3A_815 : i1 to i32
        %sign3A_817 = arith.subi %sign3A_813, %sign3A_816 : i32
        %ne3A_818 = arith.cmpi ne, %sign3A_810, %sign3A_817 : i32
        %rem3A_819 = arith.remsi %sub3A_801, %jit3A_802 : i32
        %ne3A_820 = arith.constant 0 : i32
        %ne3A_821 = arith.cmpi ne, %rem3A_819, %ne3A_820 : i32
        %and3A_822 = arith.andi %ne3A_818, %ne3A_821 : i1
        %sub3A_823 = arith.constant 1 : i32
        %sub3A_824 = arith.subi %div3A_803, %sub3A_823 : i32
        %select_n3A_825 = arith.select %and3A_822, %sub3A_824, %div3A_803 : i32
        %mul3A_826 = arith.constant 200 : i32
        %mul3A_827 = arith.muli %select_n3A_825, %mul3A_826 : i32
        %add3A_828 = arith.addi %mul3A_4, %mul3A_827 : i32
        %add3A_829 = arith.constant 0 : i32
        %add3A_830 = arith.addi %add3A_828, %add3A_829 : i32
        %dma_wait3A_831 = arith.constant 0 : i32
        %dma_wait3A_832 = tpu.memref_slice %arg4[%add3A_830, %dma_wait3A_831] : memref<204800x128xf32, #tpu.memory_space<hbm>> -> memref<128x128xf32, #tpu.memory_space<hbm>>
        %dma_wait3A_833 = arith.constant 0 : i32
        %dma_wait3A_834 = tpu.memref_slice %arg4[%add3A_830, %dma_wait3A_833] : memref<204800x128xf32, #tpu.memory_space<hbm>> -> memref<128x128xf32, #tpu.memory_space<hbm>>
        tpu.wait_dma2 semaphore(%arg27 : memref<!tpu.dma_semaphore, #tpu.memory_space<semaphore_mem>>) src(%arg11 : memref<128x128xf32, #tpu.memory_space<vmem>>) dst(%dma_wait3A_834 : memref<128x128xf32, #tpu.memory_space<hbm>>)
      } else {
      }
      %lt3A_132 = arith.constant 64 : i32
      %lt3A_133 = arith.cmpi slt, %add3A_125, %lt3A_132 : i32
      %convert_element_type3A_134 = arith.extui %lt3A_133 : i1 to i32
      %cond3A_135 = arith.constant 0 : i32
      %cond3A_136 = arith.cmpi ne, %convert_element_type3A_134, %cond3A_135 : i32
      scf.if %cond3A_136 {
        %jit3A_800 = arith.constant 2 : i32
        %div3A_801 = arith.divsi %add3A_125, %jit3A_800 : i32
        %sign3A_802 = arith.constant 0 : i32
        %sign3A_803 = arith.cmpi sgt, %add3A_125, %sign3A_802 : i32
        %sign3A_804 = arith.extui %sign3A_803 : i1 to i32
        %sign3A_805 = arith.constant 0 : i32
        %sign3A_806 = arith.cmpi slt, %add3A_125, %sign3A_805 : i32
        %sign3A_807 = arith.extui %sign3A_806 : i1 to i32
        %sign3A_808 = arith.subi %sign3A_804, %sign3A_807 : i32
        %sign3A_809 = arith.constant 0 : i32
        %sign3A_810 = arith.cmpi sgt, %jit3A_800, %sign3A_809 : i32
        %sign3A_811 = arith.extui %sign3A_810 : i1 to i32
        %sign3A_812 = arith.constant 0 : i32
        %sign3A_813 = arith.cmpi slt, %jit3A_800, %sign3A_812 : i32
        %sign3A_814 = arith.extui %sign3A_813 : i1 to i32
        %sign3A_815 = arith.subi %sign3A_811, %sign3A_814 : i32
        %ne3A_816 = arith.cmpi ne, %sign3A_808, %sign3A_815 : i32
        %rem3A_817 = arith.remsi %add3A_125, %jit3A_800 : i32
        %ne3A_818 = arith.constant 0 : i32
        %ne3A_819 = arith.cmpi ne, %rem3A_817, %ne3A_818 : i32
        %and3A_820 = arith.andi %ne3A_816, %ne3A_819 : i1
        %sub3A_821 = arith.constant 1 : i32
        %sub3A_822 = arith.subi %div3A_801, %sub3A_821 : i32
        %select_n3A_823 = arith.select %and3A_820, %sub3A_822, %div3A_801 : i32
        %dma_start3A_824 = arith.constant 0 : i32
        %dma_start3A_825 = tpu.memref_slice %arg5[%select_n3A_823, %dma_start3A_824] : memref<32x200xi32, #tpu.memory_space<vmem>> -> memref<1x128xi32, #tpu.memory_space<vmem>>
        %dma_start3A_826 = tpu.memref_squeeze %dma_start3A_825 : memref<1x128xi32, #tpu.memory_space<vmem>> -> memref<128xi32, #tpu.memory_space<vmem>>
        %dma_start3A_827 = arith.constant 0 : i32
        %dma_start3A_828 = arith.constant 0 : i32
        %dma_start3A_829 = tpu.memref_slice %arg6[%rem3A_5, %dma_start3A_827, %dma_start3A_828] : memref<2x1000x128xf32, #tpu.memory_space<vmem_shared>> -> memref<1x1000x128xf32, #tpu.memory_space<vmem_shared>>
        %dma_start3A_830 = tpu.memref_squeeze %dma_start3A_829 : memref<1x1000x128xf32, #tpu.memory_space<vmem_shared>> -> memref<1000x128xf32, #tpu.memory_space<vmem_shared>>
        %dma_start3A_831 = arith.constant 0 : i32
        %dma_start3A_832 = arith.constant 0 : i32
        %dma_start3A_833 = tpu.memref_slice %dma_start3A_830[%dma_start3A_831, %dma_start3A_832] : memref<1000x128xf32, #tpu.memory_space<vmem_shared>> -> memref<1000x128xf32, #tpu.memory_space<vmem_shared>>
        tpu.enqueue_indirect_dma source(%dma_start3A_833 : memref<1000x128xf32, #tpu.memory_space<vmem_shared>>) target(%arg11 : memref<128x128xf32, #tpu.memory_space<vmem>>) offsets(%dma_start3A_826 : memref<128xi32, #tpu.memory_space<vmem>>) semaphore(%arg19 : memref<!tpu.dma_semaphore, #tpu.memory_space<semaphore_mem>>)
      } else {
      }
      %jit3A = arith.constant 2 : i32
      %div3A = arith.divsi %add3A_123, %jit3A : i32
      %sign3A = arith.constant 0 : i32
      %sign3A_137 = arith.cmpi sgt, %add3A_123, %sign3A : i32
      %sign3A_138 = arith.extui %sign3A_137 : i1 to i32
      %sign3A_139 = arith.constant 0 : i32
      %sign3A_140 = arith.cmpi slt, %add3A_123, %sign3A_139 : i32
      %sign3A_141 = arith.extui %sign3A_140 : i1 to i32
      %sign3A_142 = arith.subi %sign3A_138, %sign3A_141 : i32
      %sign3A_143 = arith.constant 0 : i32
      %sign3A_144 = arith.cmpi sgt, %jit3A, %sign3A_143 : i32
      %sign3A_145 = arith.extui %sign3A_144 : i1 to i32
      %sign3A_146 = arith.constant 0 : i32
      %sign3A_147 = arith.cmpi slt, %jit3A, %sign3A_146 : i32
      %sign3A_148 = arith.extui %sign3A_147 : i1 to i32
      %sign3A_149 = arith.subi %sign3A_145, %sign3A_148 : i32
      %ne3A = arith.cmpi ne, %sign3A_142, %sign3A_149 : i32
      %rem3A_150 = arith.remsi %add3A_123, %jit3A : i32
      %ne3A_151 = arith.constant 0 : i32
      %ne3A_152 = arith.cmpi ne, %rem3A_150, %ne3A_151 : i32
      %and3A_153 = arith.andi %ne3A, %ne3A_152 : i1
      %sub3A = arith.constant 1 : i32
      %sub3A_154 = arith.subi %div3A, %sub3A : i32
      %select_n3A = arith.select %and3A_153, %sub3A_154, %div3A : i32
      %dma_wait3A_155 = arith.constant 0 : i32
      %dma_wait3A_156 = tpu.memref_slice %arg5[%select_n3A, %dma_wait3A_155] : memref<32x200xi32, #tpu.memory_space<vmem>> -> memref<1x128xi32, #tpu.memory_space<vmem>>
      %dma_wait3A_157 = tpu.memref_squeeze %dma_wait3A_156 : memref<1x128xi32, #tpu.memory_space<vmem>> -> memref<128xi32, #tpu.memory_space<vmem>>
      %dma_wait3A_158 = arith.constant 0 : i32
      %dma_wait3A_159 = arith.constant 0 : i32
      %dma_wait3A_160 = tpu.memref_slice %arg6[%rem3A_5, %dma_wait3A_158, %dma_wait3A_159] : memref<2x1000x128xf32, #tpu.memory_space<vmem_shared>> -> memref<1x1000x128xf32, #tpu.memory_space<vmem_shared>>
      %dma_wait3A_161 = tpu.memref_squeeze %dma_wait3A_160 : memref<1x1000x128xf32, #tpu.memory_space<vmem_shared>> -> memref<1000x128xf32, #tpu.memory_space<vmem_shared>>
      %dma_wait3A_162 = arith.constant 0 : i32
      %dma_wait3A_163 = arith.constant 0 : i32
      %dma_wait3A_164 = tpu.memref_slice %dma_wait3A_161[%dma_wait3A_162, %dma_wait3A_163] : memref<1000x128xf32, #tpu.memory_space<vmem_shared>> -> memref<1000x128xf32, #tpu.memory_space<vmem_shared>>
      tpu.wait_indirect_dma semaphore(%arg15 : memref<!tpu.dma_semaphore, #tpu.memory_space<semaphore_mem>>) src(%dma_wait3A_164 : memref<1000x128xf32, #tpu.memory_space<vmem_shared>>) dst(%arg7 : memref<128x128xf32, #tpu.memory_space<vmem>>)
      %jit3A_165 = arith.constant 2 : i32
      %div3A_166 = arith.divsi %add3A_123, %jit3A_165 : i32
      %sign3A_167 = arith.constant 0 : i32
      %sign3A_168 = arith.cmpi sgt, %add3A_123, %sign3A_167 : i32
      %sign3A_169 = arith.extui %sign3A_168 : i1 to i32
      %sign3A_170 = arith.constant 0 : i32
      %sign3A_171 = arith.cmpi slt, %add3A_123, %sign3A_170 : i32
      %sign3A_172 = arith.extui %sign3A_171 : i1 to i32
      %sign3A_173 = arith.subi %sign3A_169, %sign3A_172 : i32
      %sign3A_174 = arith.constant 0 : i32
      %sign3A_175 = arith.cmpi sgt, %jit3A_165, %sign3A_174 : i32
      %sign3A_176 = arith.extui %sign3A_175 : i1 to i32
      %sign3A_177 = arith.constant 0 : i32
      %sign3A_178 = arith.cmpi slt, %jit3A_165, %sign3A_177 : i32
      %sign3A_179 = arith.extui %sign3A_178 : i1 to i32
      %sign3A_180 = arith.subi %sign3A_176, %sign3A_179 : i32
      %ne3A_181 = arith.cmpi ne, %sign3A_173, %sign3A_180 : i32
      %rem3A_182 = arith.remsi %add3A_123, %jit3A_165 : i32
      %ne3A_183 = arith.constant 0 : i32
      %ne3A_184 = arith.cmpi ne, %rem3A_182, %ne3A_183 : i32
      %and3A_185 = arith.andi %ne3A_181, %ne3A_184 : i1
      %sub3A_186 = arith.constant 1 : i32
      %sub3A_187 = arith.subi %div3A_166, %sub3A_186 : i32
      %select_n3A_188 = arith.select %and3A_185, %sub3A_187, %div3A_166 : i32
      %mul3A_189 = arith.constant 200 : i32
      %mul3A_190 = arith.muli %select_n3A_188, %mul3A_189 : i32
      %add3A_191 = arith.addi %mul3A_4, %mul3A_190 : i32
      %add3A_192 = arith.constant 0 : i32
      %add3A_193 = arith.addi %add3A_191, %add3A_192 : i32
      %dma_start3A_194 = arith.constant 0 : i32
      %dma_start3A_195 = tpu.memref_slice %arg4[%add3A_193, %dma_start3A_194] : memref<204800x128xf32, #tpu.memory_space<hbm>> -> memref<128x128xf32, #tpu.memory_space<hbm>>
      %dma_start3A_196 = arith.constant 0 : i32
      %dma_start3A_197 = tpu.memref_slice %arg4[%add3A_193, %dma_start3A_196] : memref<204800x128xf32, #tpu.memory_space<hbm>> -> memref<128x128xf32, #tpu.memory_space<hbm>>
      tpu.enqueue_dma source(%arg7 : memref<128x128xf32, #tpu.memory_space<vmem>>) target(%dma_start3A_197 : memref<128x128xf32, #tpu.memory_space<hbm>>) target_semaphore(%arg23 : memref<!tpu.dma_semaphore, #tpu.memory_space<semaphore_mem>>)
      %mul3A_198 = arith.constant 8 : i32
      %mul3A_199 = arith.muli %scan3A_119, %mul3A_198 : i32
      %add3A_200 = arith.constant 1 : i32
      %add3A_201 = arith.addi %mul3A_199, %add3A_200 : i32
      %add3A_202 = arith.constant 4 : i32
      %add3A_203 = arith.addi %add3A_201, %add3A_202 : i32
      %lt3A_204 = arith.constant 64 : i32
      %lt3A_205 = arith.cmpi slt, %add3A_203, %lt3A_204 : i32
      %ge3A_206 = arith.constant 4 : i32
      %ge3A_207 = arith.cmpi sge, %add3A_201, %ge3A_206 : i32
      %and3A_208 = arith.andi %lt3A_205, %ge3A_207 : i1
      %convert_element_type3A_209 = arith.extui %and3A_208 : i1 to i32
      %cond3A_210 = arith.constant 0 : i32
      %cond3A_211 = arith.cmpi ne, %convert_element_type3A_209, %cond3A_210 : i32
      scf.if %cond3A_211 {
        %sub3A_800 = arith.constant 4 : i32
        %sub3A_801 = arith.subi %add3A_201, %sub3A_800 : i32
        %jit3A_802 = arith.constant 2 : i32
        %div3A_803 = arith.divsi %sub3A_801, %jit3A_802 : i32
        %sign3A_804 = arith.constant 0 : i32
        %sign3A_805 = arith.cmpi sgt, %sub3A_801, %sign3A_804 : i32
        %sign3A_806 = arith.extui %sign3A_805 : i1 to i32
        %sign3A_807 = arith.constant 0 : i32
        %sign3A_808 = arith.cmpi slt, %sub3A_801, %sign3A_807 : i32
        %sign3A_809 = arith.extui %sign3A_808 : i1 to i32
        %sign3A_810 = arith.subi %sign3A_806, %sign3A_809 : i32
        %sign3A_811 = arith.constant 0 : i32
        %sign3A_812 = arith.cmpi sgt, %jit3A_802, %sign3A_811 : i32
        %sign3A_813 = arith.extui %sign3A_812 : i1 to i32
        %sign3A_814 = arith.constant 0 : i32
        %sign3A_815 = arith.cmpi slt, %jit3A_802, %sign3A_814 : i32
        %sign3A_816 = arith.extui %sign3A_815 : i1 to i32
        %sign3A_817 = arith.subi %sign3A_813, %sign3A_816 : i32
        %ne3A_818 = arith.cmpi ne, %sign3A_810, %sign3A_817 : i32
        %rem3A_819 = arith.remsi %sub3A_801, %jit3A_802 : i32
        %ne3A_820 = arith.constant 0 : i32
        %ne3A_821 = arith.cmpi ne, %rem3A_819, %ne3A_820 : i32
        %and3A_822 = arith.andi %ne3A_818, %ne3A_821 : i1
        %sub3A_823 = arith.constant 1 : i32
        %sub3A_824 = arith.subi %div3A_803, %sub3A_823 : i32
        %select_n3A_825 = arith.select %and3A_822, %sub3A_824, %div3A_803 : i32
        %mul3A_826 = arith.constant 200 : i32
        %mul3A_827 = arith.muli %select_n3A_825, %mul3A_826 : i32
        %add3A_828 = arith.addi %mul3A_4, %mul3A_827 : i32
        %add3A_829 = arith.constant 128 : i32
        %add3A_830 = arith.addi %add3A_828, %add3A_829 : i32
        %dma_wait3A_831 = arith.constant 0 : i32
        %dma_wait3A_832 = tpu.memref_slice %arg4[%add3A_830, %dma_wait3A_831] : memref<204800x128xf32, #tpu.memory_space<hbm>> -> memref<72x128xf32, #tpu.memory_space<hbm>>
        %dma_wait3A_833 = arith.constant 0 : i32
        %dma_wait3A_834 = tpu.memref_slice %arg4[%add3A_830, %dma_wait3A_833] : memref<204800x128xf32, #tpu.memory_space<hbm>> -> memref<72x128xf32, #tpu.memory_space<hbm>>
        tpu.wait_dma2 semaphore(%arg28 : memref<!tpu.dma_semaphore, #tpu.memory_space<semaphore_mem>>) src(%arg12 : memref<72x128xf32, #tpu.memory_space<vmem>>) dst(%dma_wait3A_834 : memref<72x128xf32, #tpu.memory_space<hbm>>)
      } else {
      }
      %lt3A_212 = arith.constant 64 : i32
      %lt3A_213 = arith.cmpi slt, %add3A_203, %lt3A_212 : i32
      %convert_element_type3A_214 = arith.extui %lt3A_213 : i1 to i32
      %cond3A_215 = arith.constant 0 : i32
      %cond3A_216 = arith.cmpi ne, %convert_element_type3A_214, %cond3A_215 : i32
      scf.if %cond3A_216 {
        %jit3A_800 = arith.constant 2 : i32
        %div3A_801 = arith.divsi %add3A_203, %jit3A_800 : i32
        %sign3A_802 = arith.constant 0 : i32
        %sign3A_803 = arith.cmpi sgt, %add3A_203, %sign3A_802 : i32
        %sign3A_804 = arith.extui %sign3A_803 : i1 to i32
        %sign3A_805 = arith.constant 0 : i32
        %sign3A_806 = arith.cmpi slt, %add3A_203, %sign3A_805 : i32
        %sign3A_807 = arith.extui %sign3A_806 : i1 to i32
        %sign3A_808 = arith.subi %sign3A_804, %sign3A_807 : i32
        %sign3A_809 = arith.constant 0 : i32
        %sign3A_810 = arith.cmpi sgt, %jit3A_800, %sign3A_809 : i32
        %sign3A_811 = arith.extui %sign3A_810 : i1 to i32
        %sign3A_812 = arith.constant 0 : i32
        %sign3A_813 = arith.cmpi slt, %jit3A_800, %sign3A_812 : i32
        %sign3A_814 = arith.extui %sign3A_813 : i1 to i32
        %sign3A_815 = arith.subi %sign3A_811, %sign3A_814 : i32
        %ne3A_816 = arith.cmpi ne, %sign3A_808, %sign3A_815 : i32
        %rem3A_817 = arith.remsi %add3A_203, %jit3A_800 : i32
        %ne3A_818 = arith.constant 0 : i32
        %ne3A_819 = arith.cmpi ne, %rem3A_817, %ne3A_818 : i32
        %and3A_820 = arith.andi %ne3A_816, %ne3A_819 : i1
        %sub3A_821 = arith.constant 1 : i32
        %sub3A_822 = arith.subi %div3A_801, %sub3A_821 : i32
        %select_n3A_823 = arith.select %and3A_820, %sub3A_822, %div3A_801 : i32
        %dma_start3A_824 = arith.constant 128 : i32
        %dma_start3A_825 = tpu.memref_slice %arg5[%select_n3A_823, %dma_start3A_824] : memref<32x200xi32, #tpu.memory_space<vmem>> -> memref<1x72xi32, #tpu.memory_space<vmem>>
        %dma_start3A_826 = tpu.memref_squeeze %dma_start3A_825 : memref<1x72xi32, #tpu.memory_space<vmem>> -> memref<72xi32, #tpu.memory_space<vmem>>
        %dma_start3A_827 = arith.constant 0 : i32
        %dma_start3A_828 = arith.constant 0 : i32
        %dma_start3A_829 = tpu.memref_slice %arg6[%rem3A_5, %dma_start3A_827, %dma_start3A_828] : memref<2x1000x128xf32, #tpu.memory_space<vmem_shared>> -> memref<1x1000x128xf32, #tpu.memory_space<vmem_shared>>
        %dma_start3A_830 = tpu.memref_squeeze %dma_start3A_829 : memref<1x1000x128xf32, #tpu.memory_space<vmem_shared>> -> memref<1000x128xf32, #tpu.memory_space<vmem_shared>>
        %dma_start3A_831 = arith.constant 0 : i32
        %dma_start3A_832 = arith.constant 0 : i32
        %dma_start3A_833 = tpu.memref_slice %dma_start3A_830[%dma_start3A_831, %dma_start3A_832] : memref<1000x128xf32, #tpu.memory_space<vmem_shared>> -> memref<1000x128xf32, #tpu.memory_space<vmem_shared>>
        tpu.enqueue_indirect_dma source(%dma_start3A_833 : memref<1000x128xf32, #tpu.memory_space<vmem_shared>>) target(%arg12 : memref<72x128xf32, #tpu.memory_space<vmem>>) offsets(%dma_start3A_826 : memref<72xi32, #tpu.memory_space<vmem>>) semaphore(%arg20 : memref<!tpu.dma_semaphore, #tpu.memory_space<semaphore_mem>>)
      } else {
      }
      %jit3A_217 = arith.constant 2 : i32
      %div3A_218 = arith.divsi %add3A_201, %jit3A_217 : i32
      %sign3A_219 = arith.constant 0 : i32
      %sign3A_220 = arith.cmpi sgt, %add3A_201, %sign3A_219 : i32
      %sign3A_221 = arith.extui %sign3A_220 : i1 to i32
      %sign3A_222 = arith.constant 0 : i32
      %sign3A_223 = arith.cmpi slt, %add3A_201, %sign3A_222 : i32
      %sign3A_224 = arith.extui %sign3A_223 : i1 to i32
      %sign3A_225 = arith.subi %sign3A_221, %sign3A_224 : i32
      %sign3A_226 = arith.constant 0 : i32
      %sign3A_227 = arith.cmpi sgt, %jit3A_217, %sign3A_226 : i32
      %sign3A_228 = arith.extui %sign3A_227 : i1 to i32
      %sign3A_229 = arith.constant 0 : i32
      %sign3A_230 = arith.cmpi slt, %jit3A_217, %sign3A_229 : i32
      %sign3A_231 = arith.extui %sign3A_230 : i1 to i32
      %sign3A_232 = arith.subi %sign3A_228, %sign3A_231 : i32
      %ne3A_233 = arith.cmpi ne, %sign3A_225, %sign3A_232 : i32
      %rem3A_234 = arith.remsi %add3A_201, %jit3A_217 : i32
      %ne3A_235 = arith.constant 0 : i32
      %ne3A_236 = arith.cmpi ne, %rem3A_234, %ne3A_235 : i32
      %and3A_237 = arith.andi %ne3A_233, %ne3A_236 : i1
      %sub3A_238 = arith.constant 1 : i32
      %sub3A_239 = arith.subi %div3A_218, %sub3A_238 : i32
      %select_n3A_240 = arith.select %and3A_237, %sub3A_239, %div3A_218 : i32
      %dma_wait3A_241 = arith.constant 128 : i32
      %dma_wait3A_242 = tpu.memref_slice %arg5[%select_n3A_240, %dma_wait3A_241] : memref<32x200xi32, #tpu.memory_space<vmem>> -> memref<1x72xi32, #tpu.memory_space<vmem>>
      %dma_wait3A_243 = tpu.memref_squeeze %dma_wait3A_242 : memref<1x72xi32, #tpu.memory_space<vmem>> -> memref<72xi32, #tpu.memory_space<vmem>>
      %dma_wait3A_244 = arith.constant 0 : i32
      %dma_wait3A_245 = arith.constant 0 : i32
      %dma_wait3A_246 = tpu.memref_slice %arg6[%rem3A_5, %dma_wait3A_244, %dma_wait3A_245] : memref<2x1000x128xf32, #tpu.memory_space<vmem_shared>> -> memref<1x1000x128xf32, #tpu.memory_space<vmem_shared>>
      %dma_wait3A_247 = tpu.memref_squeeze %dma_wait3A_246 : memref<1x1000x128xf32, #tpu.memory_space<vmem_shared>> -> memref<1000x128xf32, #tpu.memory_space<vmem_shared>>
      %dma_wait3A_248 = arith.constant 0 : i32
      %dma_wait3A_249 = arith.constant 0 : i32
      %dma_wait3A_250 = tpu.memref_slice %dma_wait3A_247[%dma_wait3A_248, %dma_wait3A_249] : memref<1000x128xf32, #tpu.memory_space<vmem_shared>> -> memref<1000x128xf32, #tpu.memory_space<vmem_shared>>
      tpu.wait_indirect_dma semaphore(%arg16 : memref<!tpu.dma_semaphore, #tpu.memory_space<semaphore_mem>>) src(%dma_wait3A_250 : memref<1000x128xf32, #tpu.memory_space<vmem_shared>>) dst(%arg8 : memref<72x128xf32, #tpu.memory_space<vmem>>)
      %jit3A_251 = arith.constant 2 : i32
      %div3A_252 = arith.divsi %add3A_201, %jit3A_251 : i32
      %sign3A_253 = arith.constant 0 : i32
      %sign3A_254 = arith.cmpi sgt, %add3A_201, %sign3A_253 : i32
      %sign3A_255 = arith.extui %sign3A_254 : i1 to i32
      %sign3A_256 = arith.constant 0 : i32
      %sign3A_257 = arith.cmpi slt, %add3A_201, %sign3A_256 : i32
      %sign3A_258 = arith.extui %sign3A_257 : i1 to i32
      %sign3A_259 = arith.subi %sign3A_255, %sign3A_258 : i32
      %sign3A_260 = arith.constant 0 : i32
      %sign3A_261 = arith.cmpi sgt, %jit3A_251, %sign3A_260 : i32
      %sign3A_262 = arith.extui %sign3A_261 : i1 to i32
      %sign3A_263 = arith.constant 0 : i32
      %sign3A_264 = arith.cmpi slt, %jit3A_251, %sign3A_263 : i32
      %sign3A_265 = arith.extui %sign3A_264 : i1 to i32
      %sign3A_266 = arith.subi %sign3A_262, %sign3A_265 : i32
      %ne3A_267 = arith.cmpi ne, %sign3A_259, %sign3A_266 : i32
      %rem3A_268 = arith.remsi %add3A_201, %jit3A_251 : i32
      %ne3A_269 = arith.constant 0 : i32
      %ne3A_270 = arith.cmpi ne, %rem3A_268, %ne3A_269 : i32
      %and3A_271 = arith.andi %ne3A_267, %ne3A_270 : i1
      %sub3A_272 = arith.constant 1 : i32
      %sub3A_273 = arith.subi %div3A_252, %sub3A_272 : i32
      %select_n3A_274 = arith.select %and3A_271, %sub3A_273, %div3A_252 : i32
      %mul3A_275 = arith.constant 200 : i32
      %mul3A_276 = arith.muli %select_n3A_274, %mul3A_275 : i32
      %add3A_277 = arith.addi %mul3A_4, %mul3A_276 : i32
      %add3A_278 = arith.constant 128 : i32
      %add3A_279 = arith.addi %add3A_277, %add3A_278 : i32
      %dma_start3A_280 = arith.constant 0 : i32
      %dma_start3A_281 = tpu.memref_slice %arg4[%add3A_279, %dma_start3A_280] : memref<204800x128xf32, #tpu.memory_space<hbm>> -> memref<72x128xf32, #tpu.memory_space<hbm>>
      %dma_start3A_282 = arith.constant 0 : i32
      %dma_start3A_283 = tpu.memref_slice %arg4[%add3A_279, %dma_start3A_282] : memref<204800x128xf32, #tpu.memory_space<hbm>> -> memref<72x128xf32, #tpu.memory_space<hbm>>
      tpu.enqueue_dma source(%arg8 : memref<72x128xf32, #tpu.memory_space<vmem>>) target(%dma_start3A_283 : memref<72x128xf32, #tpu.memory_space<hbm>>) target_semaphore(%arg24 : memref<!tpu.dma_semaphore, #tpu.memory_space<semaphore_mem>>)
      %mul3A_284 = arith.constant 8 : i32
      %mul3A_285 = arith.muli %scan3A_119, %mul3A_284 : i32
      %add3A_286 = arith.constant 2 : i32
      %add3A_287 = arith.addi %mul3A_285, %add3A_286 : i32
      %add3A_288 = arith.constant 4 : i32
      %add3A_289 = arith.addi %add3A_287, %add3A_288 : i32
      %lt3A_290 = arith.constant 64 : i32
      %lt3A_291 = arith.cmpi slt, %add3A_289, %lt3A_290 : i32
      %ge3A_292 = arith.constant 4 : i32
      %ge3A_293 = arith.cmpi sge, %add3A_287, %ge3A_292 : i32
      %and3A_294 = arith.andi %lt3A_291, %ge3A_293 : i1
      %convert_element_type3A_295 = arith.extui %and3A_294 : i1 to i32
      %cond3A_296 = arith.constant 0 : i32
      %cond3A_297 = arith.cmpi ne, %convert_element_type3A_295, %cond3A_296 : i32
      scf.if %cond3A_297 {
        %sub3A_800 = arith.constant 4 : i32
        %sub3A_801 = arith.subi %add3A_287, %sub3A_800 : i32
        %jit3A_802 = arith.constant 2 : i32
        %div3A_803 = arith.divsi %sub3A_801, %jit3A_802 : i32
        %sign3A_804 = arith.constant 0 : i32
        %sign3A_805 = arith.cmpi sgt, %sub3A_801, %sign3A_804 : i32
        %sign3A_806 = arith.extui %sign3A_805 : i1 to i32
        %sign3A_807 = arith.constant 0 : i32
        %sign3A_808 = arith.cmpi slt, %sub3A_801, %sign3A_807 : i32
        %sign3A_809 = arith.extui %sign3A_808 : i1 to i32
        %sign3A_810 = arith.subi %sign3A_806, %sign3A_809 : i32
        %sign3A_811 = arith.constant 0 : i32
        %sign3A_812 = arith.cmpi sgt, %jit3A_802, %sign3A_811 : i32
        %sign3A_813 = arith.extui %sign3A_812 : i1 to i32
        %sign3A_814 = arith.constant 0 : i32
        %sign3A_815 = arith.cmpi slt, %jit3A_802, %sign3A_814 : i32
        %sign3A_816 = arith.extui %sign3A_815 : i1 to i32
        %sign3A_817 = arith.subi %sign3A_813, %sign3A_816 : i32
        %ne3A_818 = arith.cmpi ne, %sign3A_810, %sign3A_817 : i32
        %rem3A_819 = arith.remsi %sub3A_801, %jit3A_802 : i32
        %ne3A_820 = arith.constant 0 : i32
        %ne3A_821 = arith.cmpi ne, %rem3A_819, %ne3A_820 : i32
        %and3A_822 = arith.andi %ne3A_818, %ne3A_821 : i1
        %sub3A_823 = arith.constant 1 : i32
        %sub3A_824 = arith.subi %div3A_803, %sub3A_823 : i32
        %select_n3A_825 = arith.select %and3A_822, %sub3A_824, %div3A_803 : i32
        %mul3A_826 = arith.constant 200 : i32
        %mul3A_827 = arith.muli %select_n3A_825, %mul3A_826 : i32
        %add3A_828 = arith.addi %mul3A_4, %mul3A_827 : i32
        %add3A_829 = arith.constant 0 : i32
        %add3A_830 = arith.addi %add3A_828, %add3A_829 : i32
        %dma_wait3A_831 = arith.constant 0 : i32
        %dma_wait3A_832 = tpu.memref_slice %arg4[%add3A_830, %dma_wait3A_831] : memref<204800x128xf32, #tpu.memory_space<hbm>> -> memref<128x128xf32, #tpu.memory_space<hbm>>
        %dma_wait3A_833 = arith.constant 0 : i32
        %dma_wait3A_834 = tpu.memref_slice %arg4[%add3A_830, %dma_wait3A_833] : memref<204800x128xf32, #tpu.memory_space<hbm>> -> memref<128x128xf32, #tpu.memory_space<hbm>>
        tpu.wait_dma2 semaphore(%arg29 : memref<!tpu.dma_semaphore, #tpu.memory_space<semaphore_mem>>) src(%arg13 : memref<128x128xf32, #tpu.memory_space<vmem>>) dst(%dma_wait3A_834 : memref<128x128xf32, #tpu.memory_space<hbm>>)
      } else {
      }
      %lt3A_298 = arith.constant 64 : i32
      %lt3A_299 = arith.cmpi slt, %add3A_289, %lt3A_298 : i32
      %convert_element_type3A_300 = arith.extui %lt3A_299 : i1 to i32
      %cond3A_301 = arith.constant 0 : i32
      %cond3A_302 = arith.cmpi ne, %convert_element_type3A_300, %cond3A_301 : i32
      scf.if %cond3A_302 {
        %jit3A_800 = arith.constant 2 : i32
        %div3A_801 = arith.divsi %add3A_289, %jit3A_800 : i32
        %sign3A_802 = arith.constant 0 : i32
        %sign3A_803 = arith.cmpi sgt, %add3A_289, %sign3A_802 : i32
        %sign3A_804 = arith.extui %sign3A_803 : i1 to i32
        %sign3A_805 = arith.constant 0 : i32
        %sign3A_806 = arith.cmpi slt, %add3A_289, %sign3A_805 : i32
        %sign3A_807 = arith.extui %sign3A_806 : i1 to i32
        %sign3A_808 = arith.subi %sign3A_804, %sign3A_807 : i32
        %sign3A_809 = arith.constant 0 : i32
        %sign3A_810 = arith.cmpi sgt, %jit3A_800, %sign3A_809 : i32
        %sign3A_811 = arith.extui %sign3A_810 : i1 to i32
        %sign3A_812 = arith.constant 0 : i32
        %sign3A_813 = arith.cmpi slt, %jit3A_800, %sign3A_812 : i32
        %sign3A_814 = arith.extui %sign3A_813 : i1 to i32
        %sign3A_815 = arith.subi %sign3A_811, %sign3A_814 : i32
        %ne3A_816 = arith.cmpi ne, %sign3A_808, %sign3A_815 : i32
        %rem3A_817 = arith.remsi %add3A_289, %jit3A_800 : i32
        %ne3A_818 = arith.constant 0 : i32
        %ne3A_819 = arith.cmpi ne, %rem3A_817, %ne3A_818 : i32
        %and3A_820 = arith.andi %ne3A_816, %ne3A_819 : i1
        %sub3A_821 = arith.constant 1 : i32
        %sub3A_822 = arith.subi %div3A_801, %sub3A_821 : i32
        %select_n3A_823 = arith.select %and3A_820, %sub3A_822, %div3A_801 : i32
        %dma_start3A_824 = arith.constant 0 : i32
        %dma_start3A_825 = tpu.memref_slice %arg5[%select_n3A_823, %dma_start3A_824] : memref<32x200xi32, #tpu.memory_space<vmem>> -> memref<1x128xi32, #tpu.memory_space<vmem>>
        %dma_start3A_826 = tpu.memref_squeeze %dma_start3A_825 : memref<1x128xi32, #tpu.memory_space<vmem>> -> memref<128xi32, #tpu.memory_space<vmem>>
        %dma_start3A_827 = arith.constant 0 : i32
        %dma_start3A_828 = arith.constant 0 : i32
        %dma_start3A_829 = tpu.memref_slice %arg6[%rem3A_5, %dma_start3A_827, %dma_start3A_828] : memref<2x1000x128xf32, #tpu.memory_space<vmem_shared>> -> memref<1x1000x128xf32, #tpu.memory_space<vmem_shared>>
        %dma_start3A_830 = tpu.memref_squeeze %dma_start3A_829 : memref<1x1000x128xf32, #tpu.memory_space<vmem_shared>> -> memref<1000x128xf32, #tpu.memory_space<vmem_shared>>
        %dma_start3A_831 = arith.constant 0 : i32
        %dma_start3A_832 = arith.constant 0 : i32
        %dma_start3A_833 = tpu.memref_slice %dma_start3A_830[%dma_start3A_831, %dma_start3A_832] : memref<1000x128xf32, #tpu.memory_space<vmem_shared>> -> memref<1000x128xf32, #tpu.memory_space<vmem_shared>>
        tpu.enqueue_indirect_dma source(%dma_start3A_833 : memref<1000x128xf32, #tpu.memory_space<vmem_shared>>) target(%arg13 : memref<128x128xf32, #tpu.memory_space<vmem>>) offsets(%dma_start3A_826 : memref<128xi32, #tpu.memory_space<vmem>>) semaphore(%arg21 : memref<!tpu.dma_semaphore, #tpu.memory_space<semaphore_mem>>)
      } else {
      }
      %jit3A_303 = arith.constant 2 : i32
      %div3A_304 = arith.divsi %add3A_287, %jit3A_303 : i32
      %sign3A_305 = arith.constant 0 : i32
      %sign3A_306 = arith.cmpi sgt, %add3A_287, %sign3A_305 : i32
      %sign3A_307 = arith.extui %sign3A_306 : i1 to i32
      %sign3A_308 = arith.constant 0 : i32
      %sign3A_309 = arith.cmpi slt, %add3A_287, %sign3A_308 : i32
      %sign3A_310 = arith.extui %sign3A_309 : i1 to i32
      %sign3A_311 = arith.subi %sign3A_307, %sign3A_310 : i32
      %sign3A_312 = arith.constant 0 : i32
      %sign3A_313 = arith.cmpi sgt, %jit3A_303, %sign3A_312 : i32
      %sign3A_314 = arith.extui %sign3A_313 : i1 to i32
      %sign3A_315 = arith.constant 0 : i32
      %sign3A_316 = arith.cmpi slt, %jit3A_303, %sign3A_315 : i32
      %sign3A_317 = arith.extui %sign3A_316 : i1 to i32
      %sign3A_318 = arith.subi %sign3A_314, %sign3A_317 : i32
      %ne3A_319 = arith.cmpi ne, %sign3A_311, %sign3A_318 : i32
      %rem3A_320 = arith.remsi %add3A_287, %jit3A_303 : i32
      %ne3A_321 = arith.constant 0 : i32
      %ne3A_322 = arith.cmpi ne, %rem3A_320, %ne3A_321 : i32
      %and3A_323 = arith.andi %ne3A_319, %ne3A_322 : i1
      %sub3A_324 = arith.constant 1 : i32
      %sub3A_325 = arith.subi %div3A_304, %sub3A_324 : i32
      %select_n3A_326 = arith.select %and3A_323, %sub3A_325, %div3A_304 : i32
      %dma_wait3A_327 = arith.constant 0 : i32
      %dma_wait3A_328 = tpu.memref_slice %arg5[%select_n3A_326, %dma_wait3A_327] : memref<32x200xi32, #tpu.memory_space<vmem>> -> memref<1x128xi32, #tpu.memory_space<vmem>>
      %dma_wait3A_329 = tpu.memref_squeeze %dma_wait3A_328 : memref<1x128xi32, #tpu.memory_space<vmem>> -> memref<128xi32, #tpu.memory_space<vmem>>
      %dma_wait3A_330 = arith.constant 0 : i32
      %dma_wait3A_331 = arith.constant 0 : i32
      %dma_wait3A_332 = tpu.memref_slice %arg6[%rem3A_5, %dma_wait3A_330, %dma_wait3A_331] : memref<2x1000x128xf32, #tpu.memory_space<vmem_shared>> -> memref<1x1000x128xf32, #tpu.memory_space<vmem_shared>>
      %dma_wait3A_333 = tpu.memref_squeeze %dma_wait3A_332 : memref<1x1000x128xf32, #tpu.memory_space<vmem_shared>> -> memref<1000x128xf32, #tpu.memory_space<vmem_shared>>
      %dma_wait3A_334 = arith.constant 0 : i32
      %dma_wait3A_335 = arith.constant 0 : i32
      %dma_wait3A_336 = tpu.memref_slice %dma_wait3A_333[%dma_wait3A_334, %dma_wait3A_335] : memref<1000x128xf32, #tpu.memory_space<vmem_shared>> -> memref<1000x128xf32, #tpu.memory_space<vmem_shared>>
      tpu.wait_indirect_dma semaphore(%arg17 : memref<!tpu.dma_semaphore, #tpu.memory_space<semaphore_mem>>) src(%dma_wait3A_336 : memref<1000x128xf32, #tpu.memory_space<vmem_shared>>) dst(%arg9 : memref<128x128xf32, #tpu.memory_space<vmem>>)
      %jit3A_337 = arith.constant 2 : i32
      %div3A_338 = arith.divsi %add3A_287, %jit3A_337 : i32
      %sign3A_339 = arith.constant 0 : i32
      %sign3A_340 = arith.cmpi sgt, %add3A_287, %sign3A_339 : i32
      %sign3A_341 = arith.extui %sign3A_340 : i1 to i32
      %sign3A_342 = arith.constant 0 : i32
      %sign3A_343 = arith.cmpi slt, %add3A_287, %sign3A_342 : i32
      %sign3A_344 = arith.extui %sign3A_343 : i1 to i32
      %sign3A_345 = arith.subi %sign3A_341, %sign3A_344 : i32
      %sign3A_346 = arith.constant 0 : i32
      %sign3A_347 = arith.cmpi sgt, %jit3A_337, %sign3A_346 : i32
      %sign3A_348 = arith.extui %sign3A_347 : i1 to i32
      %sign3A_349 = arith.constant 0 : i32
      %sign3A_350 = arith.cmpi slt, %jit3A_337, %sign3A_349 : i32
      %sign3A_351 = arith.extui %sign3A_350 : i1 to i32
      %sign3A_352 = arith.subi %sign3A_348, %sign3A_351 : i32
      %ne3A_353 = arith.cmpi ne, %sign3A_345, %sign3A_352 : i32
      %rem3A_354 = arith.remsi %add3A_287, %jit3A_337 : i32
      %ne3A_355 = arith.constant 0 : i32
      %ne3A_356 = arith.cmpi ne, %rem3A_354, %ne3A_355 : i32
      %and3A_357 = arith.andi %ne3A_353, %ne3A_356 : i1
      %sub3A_358 = arith.constant 1 : i32
      %sub3A_359 = arith.subi %div3A_338, %sub3A_358 : i32
      %select_n3A_360 = arith.select %and3A_357, %sub3A_359, %div3A_338 : i32
      %mul3A_361 = arith.constant 200 : i32
      %mul3A_362 = arith.muli %select_n3A_360, %mul3A_361 : i32
      %add3A_363 = arith.addi %mul3A_4, %mul3A_362 : i32
      %add3A_364 = arith.constant 0 : i32
      %add3A_365 = arith.addi %add3A_363, %add3A_364 : i32
      %dma_start3A_366 = arith.constant 0 : i32
      %dma_start3A_367 = tpu.memref_slice %arg4[%add3A_365, %dma_start3A_366] : memref<204800x128xf32, #tpu.memory_space<hbm>> -> memref<128x128xf32, #tpu.memory_space<hbm>>
      %dma_start3A_368 = arith.constant 0 : i32
      %dma_start3A_369 = tpu.memref_slice %arg4[%add3A_365, %dma_start3A_368] : memref<204800x128xf32, #tpu.memory_space<hbm>> -> memref<128x128xf32, #tpu.memory_space<hbm>>
      tpu.enqueue_dma source(%arg9 : memref<128x128xf32, #tpu.memory_space<vmem>>) target(%dma_start3A_369 : memref<128x128xf32, #tpu.memory_space<hbm>>) target_semaphore(%arg25 : memref<!tpu.dma_semaphore, #tpu.memory_space<semaphore_mem>>)
      %mul3A_370 = arith.constant 8 : i32
      %mul3A_371 = arith.muli %scan3A_119, %mul3A_370 : i32
      %add3A_372 = arith.constant 3 : i32
      %add3A_373 = arith.addi %mul3A_371, %add3A_372 : i32
      %add3A_374 = arith.constant 4 : i32
      %add3A_375 = arith.addi %add3A_373, %add3A_374 : i32
      %lt3A_376 = arith.constant 64 : i32
      %lt3A_377 = arith.cmpi slt, %add3A_375, %lt3A_376 : i32
      %ge3A_378 = arith.constant 4 : i32
      %ge3A_379 = arith.cmpi sge, %add3A_373, %ge3A_378 : i32
      %and3A_380 = arith.andi %lt3A_377, %ge3A_379 : i1
      %convert_element_type3A_381 = arith.extui %and3A_380 : i1 to i32
      %cond3A_382 = arith.constant 0 : i32
      %cond3A_383 = arith.cmpi ne, %convert_element_type3A_381, %cond3A_382 : i32
      scf.if %cond3A_383 {
        %sub3A_800 = arith.constant 4 : i32
        %sub3A_801 = arith.subi %add3A_373, %sub3A_800 : i32
        %jit3A_802 = arith.constant 2 : i32
        %div3A_803 = arith.divsi %sub3A_801, %jit3A_802 : i32
        %sign3A_804 = arith.constant 0 : i32
        %sign3A_805 = arith.cmpi sgt, %sub3A_801, %sign3A_804 : i32
        %sign3A_806 = arith.extui %sign3A_805 : i1 to i32
        %sign3A_807 = arith.constant 0 : i32
        %sign3A_808 = arith.cmpi slt, %sub3A_801, %sign3A_807 : i32
        %sign3A_809 = arith.extui %sign3A_808 : i1 to i32
        %sign3A_810 = arith.subi %sign3A_806, %sign3A_809 : i32
        %sign3A_811 = arith.constant 0 : i32
        %sign3A_812 = arith.cmpi sgt, %jit3A_802, %sign3A_811 : i32
        %sign3A_813 = arith.extui %sign3A_812 : i1 to i32
        %sign3A_814 = arith.constant 0 : i32
        %sign3A_815 = arith.cmpi slt, %jit3A_802, %sign3A_814 : i32
        %sign3A_816 = arith.extui %sign3A_815 : i1 to i32
        %sign3A_817 = arith.subi %sign3A_813, %sign3A_816 : i32
        %ne3A_818 = arith.cmpi ne, %sign3A_810, %sign3A_817 : i32
        %rem3A_819 = arith.remsi %sub3A_801, %jit3A_802 : i32
        %ne3A_820 = arith.constant 0 : i32
        %ne3A_821 = arith.cmpi ne, %rem3A_819, %ne3A_820 : i32
        %and3A_822 = arith.andi %ne3A_818, %ne3A_821 : i1
        %sub3A_823 = arith.constant 1 : i32
        %sub3A_824 = arith.subi %div3A_803, %sub3A_823 : i32
        %select_n3A_825 = arith.select %and3A_822, %sub3A_824, %div3A_803 : i32
        %mul3A_826 = arith.constant 200 : i32
        %mul3A_827 = arith.muli %select_n3A_825, %mul3A_826 : i32
        %add3A_828 = arith.addi %mul3A_4, %mul3A_827 : i32
        %add3A_829 = arith.constant 128 : i32
        %add3A_830 = arith.addi %add3A_828, %add3A_829 : i32
        %dma_wait3A_831 = arith.constant 0 : i32
        %dma_wait3A_832 = tpu.memref_slice %arg4[%add3A_830, %dma_wait3A_831] : memref<204800x128xf32, #tpu.memory_space<hbm>> -> memref<72x128xf32, #tpu.memory_space<hbm>>
        %dma_wait3A_833 = arith.constant 0 : i32
        %dma_wait3A_834 = tpu.memref_slice %arg4[%add3A_830, %dma_wait3A_833] : memref<204800x128xf32, #tpu.memory_space<hbm>> -> memref<72x128xf32, #tpu.memory_space<hbm>>
        tpu.wait_dma2 semaphore(%arg30 : memref<!tpu.dma_semaphore, #tpu.memory_space<semaphore_mem>>) src(%arg14 : memref<72x128xf32, #tpu.memory_space<vmem>>) dst(%dma_wait3A_834 : memref<72x128xf32, #tpu.memory_space<hbm>>)
      } else {
      }
      %lt3A_384 = arith.constant 64 : i32
      %lt3A_385 = arith.cmpi slt, %add3A_375, %lt3A_384 : i32
      %convert_element_type3A_386 = arith.extui %lt3A_385 : i1 to i32
      %cond3A_387 = arith.constant 0 : i32
      %cond3A_388 = arith.cmpi ne, %convert_element_type3A_386, %cond3A_387 : i32
      scf.if %cond3A_388 {
        %jit3A_800 = arith.constant 2 : i32
        %div3A_801 = arith.divsi %add3A_375, %jit3A_800 : i32
        %sign3A_802 = arith.constant 0 : i32
        %sign3A_803 = arith.cmpi sgt, %add3A_375, %sign3A_802 : i32
        %sign3A_804 = arith.extui %sign3A_803 : i1 to i32
        %sign3A_805 = arith.constant 0 : i32
        %sign3A_806 = arith.cmpi slt, %add3A_375, %sign3A_805 : i32
        %sign3A_807 = arith.extui %sign3A_806 : i1 to i32
        %sign3A_808 = arith.subi %sign3A_804, %sign3A_807 : i32
        %sign3A_809 = arith.constant 0 : i32
        %sign3A_810 = arith.cmpi sgt, %jit3A_800, %sign3A_809 : i32
        %sign3A_811 = arith.extui %sign3A_810 : i1 to i32
        %sign3A_812 = arith.constant 0 : i32
        %sign3A_813 = arith.cmpi slt, %jit3A_800, %sign3A_812 : i32
        %sign3A_814 = arith.extui %sign3A_813 : i1 to i32
        %sign3A_815 = arith.subi %sign3A_811, %sign3A_814 : i32
        %ne3A_816 = arith.cmpi ne, %sign3A_808, %sign3A_815 : i32
        %rem3A_817 = arith.remsi %add3A_375, %jit3A_800 : i32
        %ne3A_818 = arith.constant 0 : i32
        %ne3A_819 = arith.cmpi ne, %rem3A_817, %ne3A_818 : i32
        %and3A_820 = arith.andi %ne3A_816, %ne3A_819 : i1
        %sub3A_821 = arith.constant 1 : i32
        %sub3A_822 = arith.subi %div3A_801, %sub3A_821 : i32
        %select_n3A_823 = arith.select %and3A_820, %sub3A_822, %div3A_801 : i32
        %dma_start3A_824 = arith.constant 128 : i32
        %dma_start3A_825 = tpu.memref_slice %arg5[%select_n3A_823, %dma_start3A_824] : memref<32x200xi32, #tpu.memory_space<vmem>> -> memref<1x72xi32, #tpu.memory_space<vmem>>
        %dma_start3A_826 = tpu.memref_squeeze %dma_start3A_825 : memref<1x72xi32, #tpu.memory_space<vmem>> -> memref<72xi32, #tpu.memory_space<vmem>>
        %dma_start3A_827 = arith.constant 0 : i32
        %dma_start3A_828 = arith.constant 0 : i32
        %dma_start3A_829 = tpu.memref_slice %arg6[%rem3A_5, %dma_start3A_827, %dma_start3A_828] : memref<2x1000x128xf32, #tpu.memory_space<vmem_shared>> -> memref<1x1000x128xf32, #tpu.memory_space<vmem_shared>>
        %dma_start3A_830 = tpu.memref_squeeze %dma_start3A_829 : memref<1x1000x128xf32, #tpu.memory_space<vmem_shared>> -> memref<1000x128xf32, #tpu.memory_space<vmem_shared>>
        %dma_start3A_831 = arith.constant 0 : i32
        %dma_start3A_832 = arith.constant 0 : i32
        %dma_start3A_833 = tpu.memref_slice %dma_start3A_830[%dma_start3A_831, %dma_start3A_832] : memref<1000x128xf32, #tpu.memory_space<vmem_shared>> -> memref<1000x128xf32, #tpu.memory_space<vmem_shared>>
        tpu.enqueue_indirect_dma source(%dma_start3A_833 : memref<1000x128xf32, #tpu.memory_space<vmem_shared>>) target(%arg14 : memref<72x128xf32, #tpu.memory_space<vmem>>) offsets(%dma_start3A_826 : memref<72xi32, #tpu.memory_space<vmem>>) semaphore(%arg22 : memref<!tpu.dma_semaphore, #tpu.memory_space<semaphore_mem>>)
      } else {
      }
      %jit3A_389 = arith.constant 2 : i32
      %div3A_390 = arith.divsi %add3A_373, %jit3A_389 : i32
      %sign3A_391 = arith.constant 0 : i32
      %sign3A_392 = arith.cmpi sgt, %add3A_373, %sign3A_391 : i32
      %sign3A_393 = arith.extui %sign3A_392 : i1 to i32
      %sign3A_394 = arith.constant 0 : i32
      %sign3A_395 = arith.cmpi slt, %add3A_373, %sign3A_394 : i32
      %sign3A_396 = arith.extui %sign3A_395 : i1 to i32
      %sign3A_397 = arith.subi %sign3A_393, %sign3A_396 : i32
      %sign3A_398 = arith.constant 0 : i32
      %sign3A_399 = arith.cmpi sgt, %jit3A_389, %sign3A_398 : i32
      %sign3A_400 = arith.extui %sign3A_399 : i1 to i32
      %sign3A_401 = arith.constant 0 : i32
      %sign3A_402 = arith.cmpi slt, %jit3A_389, %sign3A_401 : i32
      %sign3A_403 = arith.extui %sign3A_402 : i1 to i32
      %sign3A_404 = arith.subi %sign3A_400, %sign3A_403 : i32
      %ne3A_405 = arith.cmpi ne, %sign3A_397, %sign3A_404 : i32
      %rem3A_406 = arith.remsi %add3A_373, %jit3A_389 : i32
      %ne3A_407 = arith.constant 0 : i32
      %ne3A_408 = arith.cmpi ne, %rem3A_406, %ne3A_407 : i32
      %and3A_409 = arith.andi %ne3A_405, %ne3A_408 : i1
      %sub3A_410 = arith.constant 1 : i32
      %sub3A_411 = arith.subi %div3A_390, %sub3A_410 : i32
      %select_n3A_412 = arith.select %and3A_409, %sub3A_411, %div3A_390 : i32
      %dma_wait3A_413 = arith.constant 128 : i32
      %dma_wait3A_414 = tpu.memref_slice %arg5[%select_n3A_412, %dma_wait3A_413] : memref<32x200xi32, #tpu.memory_space<vmem>> -> memref<1x72xi32, #tpu.memory_space<vmem>>
      %dma_wait3A_415 = tpu.memref_squeeze %dma_wait3A_414 : memref<1x72xi32, #tpu.memory_space<vmem>> -> memref<72xi32, #tpu.memory_space<vmem>>
      %dma_wait3A_416 = arith.constant 0 : i32
      %dma_wait3A_417 = arith.constant 0 : i32
      %dma_wait3A_418 = tpu.memref_slice %arg6[%rem3A_5, %dma_wait3A_416, %dma_wait3A_417] : memref<2x1000x128xf32, #tpu.memory_space<vmem_shared>> -> memref<1x1000x128xf32, #tpu.memory_space<vmem_shared>>
      %dma_wait3A_419 = tpu.memref_squeeze %dma_wait3A_418 : memref<1x1000x128xf32, #tpu.memory_space<vmem_shared>> -> memref<1000x128xf32, #tpu.memory_space<vmem_shared>>
      %dma_wait3A_420 = arith.constant 0 : i32
      %dma_wait3A_421 = arith.constant 0 : i32
      %dma_wait3A_422 = tpu.memref_slice %dma_wait3A_419[%dma_wait3A_420, %dma_wait3A_421] : memref<1000x128xf32, #tpu.memory_space<vmem_shared>> -> memref<1000x128xf32, #tpu.memory_space<vmem_shared>>
      tpu.wait_indirect_dma semaphore(%arg18 : memref<!tpu.dma_semaphore, #tpu.memory_space<semaphore_mem>>) src(%dma_wait3A_422 : memref<1000x128xf32, #tpu.memory_space<vmem_shared>>) dst(%arg10 : memref<72x128xf32, #tpu.memory_space<vmem>>)
      %jit3A_423 = arith.constant 2 : i32
      %div3A_424 = arith.divsi %add3A_373, %jit3A_423 : i32
      %sign3A_425 = arith.constant 0 : i32
      %sign3A_426 = arith.cmpi sgt, %add3A_373, %sign3A_425 : i32
      %sign3A_427 = arith.extui %sign3A_426 : i1 to i32
      %sign3A_428 = arith.constant 0 : i32
      %sign3A_429 = arith.cmpi slt, %add3A_373, %sign3A_428 : i32
      %sign3A_430 = arith.extui %sign3A_429 : i1 to i32
      %sign3A_431 = arith.subi %sign3A_427, %sign3A_430 : i32
      %sign3A_432 = arith.constant 0 : i32
      %sign3A_433 = arith.cmpi sgt, %jit3A_423, %sign3A_432 : i32
      %sign3A_434 = arith.extui %sign3A_433 : i1 to i32
      %sign3A_435 = arith.constant 0 : i32
      %sign3A_436 = arith.cmpi slt, %jit3A_423, %sign3A_435 : i32
      %sign3A_437 = arith.extui %sign3A_436 : i1 to i32
      %sign3A_438 = arith.subi %sign3A_434, %sign3A_437 : i32
      %ne3A_439 = arith.cmpi ne, %sign3A_431, %sign3A_438 : i32
      %rem3A_440 = arith.remsi %add3A_373, %jit3A_423 : i32
      %ne3A_441 = arith.constant 0 : i32
      %ne3A_442 = arith.cmpi ne, %rem3A_440, %ne3A_441 : i32
      %and3A_443 = arith.andi %ne3A_439, %ne3A_442 : i1
      %sub3A_444 = arith.constant 1 : i32
      %sub3A_445 = arith.subi %div3A_424, %sub3A_444 : i32
      %select_n3A_446 = arith.select %and3A_443, %sub3A_445, %div3A_424 : i32
      %mul3A_447 = arith.constant 200 : i32
      %mul3A_448 = arith.muli %select_n3A_446, %mul3A_447 : i32
      %add3A_449 = arith.addi %mul3A_4, %mul3A_448 : i32
      %add3A_450 = arith.constant 128 : i32
      %add3A_451 = arith.addi %add3A_449, %add3A_450 : i32
      %dma_start3A_452 = arith.constant 0 : i32
      %dma_start3A_453 = tpu.memref_slice %arg4[%add3A_451, %dma_start3A_452] : memref<204800x128xf32, #tpu.memory_space<hbm>> -> memref<72x128xf32, #tpu.memory_space<hbm>>
      %dma_start3A_454 = arith.constant 0 : i32
      %dma_start3A_455 = tpu.memref_slice %arg4[%add3A_451, %dma_start3A_454] : memref<204800x128xf32, #tpu.memory_space<hbm>> -> memref<72x128xf32, #tpu.memory_space<hbm>>
      tpu.enqueue_dma source(%arg10 : memref<72x128xf32, #tpu.memory_space<vmem>>) target(%dma_start3A_455 : memref<72x128xf32, #tpu.memory_space<hbm>>) target_semaphore(%arg26 : memref<!tpu.dma_semaphore, #tpu.memory_space<semaphore_mem>>)
      %mul3A_456 = arith.constant 8 : i32
      %mul3A_457 = arith.muli %scan3A_119, %mul3A_456 : i32
      %add3A_458 = arith.constant 4 : i32
      %add3A_459 = arith.addi %mul3A_457, %add3A_458 : i32
      %add3A_460 = arith.constant 4 : i32
      %add3A_461 = arith.addi %add3A_459, %add3A_460 : i32
      %lt3A_462 = arith.constant 64 : i32
      %lt3A_463 = arith.cmpi slt, %add3A_461, %lt3A_462 : i32
      %ge3A_464 = arith.constant 4 : i32
      %ge3A_465 = arith.cmpi sge, %add3A_459, %ge3A_464 : i32
      %and3A_466 = arith.andi %lt3A_463, %ge3A_465 : i1
      %convert_element_type3A_467 = arith.extui %and3A_466 : i1 to i32
      %cond3A_468 = arith.constant 0 : i32
      %cond3A_469 = arith.cmpi ne, %convert_element_type3A_467, %cond3A_468 : i32
      scf.if %cond3A_469 {
        %sub3A_800 = arith.constant 4 : i32
        %sub3A_801 = arith.subi %add3A_459, %sub3A_800 : i32
        %jit3A_802 = arith.constant 2 : i32
        %div3A_803 = arith.divsi %sub3A_801, %jit3A_802 : i32
        %sign3A_804 = arith.constant 0 : i32
        %sign3A_805 = arith.cmpi sgt, %sub3A_801, %sign3A_804 : i32
        %sign3A_806 = arith.extui %sign3A_805 : i1 to i32
        %sign3A_807 = arith.constant 0 : i32
        %sign3A_808 = arith.cmpi slt, %sub3A_801, %sign3A_807 : i32
        %sign3A_809 = arith.extui %sign3A_808 : i1 to i32
        %sign3A_810 = arith.subi %sign3A_806, %sign3A_809 : i32
        %sign3A_811 = arith.constant 0 : i32
        %sign3A_812 = arith.cmpi sgt, %jit3A_802, %sign3A_811 : i32
        %sign3A_813 = arith.extui %sign3A_812 : i1 to i32
        %sign3A_814 = arith.constant 0 : i32
        %sign3A_815 = arith.cmpi slt, %jit3A_802, %sign3A_814 : i32
        %sign3A_816 = arith.extui %sign3A_815 : i1 to i32
        %sign3A_817 = arith.subi %sign3A_813, %sign3A_816 : i32
        %ne3A_818 = arith.cmpi ne, %sign3A_810, %sign3A_817 : i32
        %rem3A_819 = arith.remsi %sub3A_801, %jit3A_802 : i32
        %ne3A_820 = arith.constant 0 : i32
        %ne3A_821 = arith.cmpi ne, %rem3A_819, %ne3A_820 : i32
        %and3A_822 = arith.andi %ne3A_818, %ne3A_821 : i1
        %sub3A_823 = arith.constant 1 : i32
        %sub3A_824 = arith.subi %div3A_803, %sub3A_823 : i32
        %select_n3A_825 = arith.select %and3A_822, %sub3A_824, %div3A_803 : i32
        %mul3A_826 = arith.constant 200 : i32
        %mul3A_827 = arith.muli %select_n3A_825, %mul3A_826 : i32
        %add3A_828 = arith.addi %mul3A_4, %mul3A_827 : i32
        %add3A_829 = arith.constant 0 : i32
        %add3A_830 = arith.addi %add3A_828, %add3A_829 : i32
        %dma_wait3A_831 = arith.constant 0 : i32
        %dma_wait3A_832 = tpu.memref_slice %arg4[%add3A_830, %dma_wait3A_831] : memref<204800x128xf32, #tpu.memory_space<hbm>> -> memref<128x128xf32, #tpu.memory_space<hbm>>
        %dma_wait3A_833 = arith.constant 0 : i32
        %dma_wait3A_834 = tpu.memref_slice %arg4[%add3A_830, %dma_wait3A_833] : memref<204800x128xf32, #tpu.memory_space<hbm>> -> memref<128x128xf32, #tpu.memory_space<hbm>>
        tpu.wait_dma2 semaphore(%arg23 : memref<!tpu.dma_semaphore, #tpu.memory_space<semaphore_mem>>) src(%arg7 : memref<128x128xf32, #tpu.memory_space<vmem>>) dst(%dma_wait3A_834 : memref<128x128xf32, #tpu.memory_space<hbm>>)
      } else {
      }
      %lt3A_470 = arith.constant 64 : i32
      %lt3A_471 = arith.cmpi slt, %add3A_461, %lt3A_470 : i32
      %convert_element_type3A_472 = arith.extui %lt3A_471 : i1 to i32
      %cond3A_473 = arith.constant 0 : i32
      %cond3A_474 = arith.cmpi ne, %convert_element_type3A_472, %cond3A_473 : i32
      scf.if %cond3A_474 {
        %jit3A_800 = arith.constant 2 : i32
        %div3A_801 = arith.divsi %add3A_461, %jit3A_800 : i32
        %sign3A_802 = arith.constant 0 : i32
        %sign3A_803 = arith.cmpi sgt, %add3A_461, %sign3A_802 : i32
        %sign3A_804 = arith.extui %sign3A_803 : i1 to i32
        %sign3A_805 = arith.constant 0 : i32
        %sign3A_806 = arith.cmpi slt, %add3A_461, %sign3A_805 : i32
        %sign3A_807 = arith.extui %sign3A_806 : i1 to i32
        %sign3A_808 = arith.subi %sign3A_804, %sign3A_807 : i32
        %sign3A_809 = arith.constant 0 : i32
        %sign3A_810 = arith.cmpi sgt, %jit3A_800, %sign3A_809 : i32
        %sign3A_811 = arith.extui %sign3A_810 : i1 to i32
        %sign3A_812 = arith.constant 0 : i32
        %sign3A_813 = arith.cmpi slt, %jit3A_800, %sign3A_812 : i32
        %sign3A_814 = arith.extui %sign3A_813 : i1 to i32
        %sign3A_815 = arith.subi %sign3A_811, %sign3A_814 : i32
        %ne3A_816 = arith.cmpi ne, %sign3A_808, %sign3A_815 : i32
        %rem3A_817 = arith.remsi %add3A_461, %jit3A_800 : i32
        %ne3A_818 = arith.constant 0 : i32
        %ne3A_819 = arith.cmpi ne, %rem3A_817, %ne3A_818 : i32
        %and3A_820 = arith.andi %ne3A_816, %ne3A_819 : i1
        %sub3A_821 = arith.constant 1 : i32
        %sub3A_822 = arith.subi %div3A_801, %sub3A_821 : i32
        %select_n3A_823 = arith.select %and3A_820, %sub3A_822, %div3A_801 : i32
        %dma_start3A_824 = arith.constant 0 : i32
        %dma_start3A_825 = tpu.memref_slice %arg5[%select_n3A_823, %dma_start3A_824] : memref<32x200xi32, #tpu.memory_space<vmem>> -> memref<1x128xi32, #tpu.memory_space<vmem>>
        %dma_start3A_826 = tpu.memref_squeeze %dma_start3A_825 : memref<1x128xi32, #tpu.memory_space<vmem>> -> memref<128xi32, #tpu.memory_space<vmem>>
        %dma_start3A_827 = arith.constant 0 : i32
        %dma_start3A_828 = arith.constant 0 : i32
        %dma_start3A_829 = tpu.memref_slice %arg6[%rem3A_5, %dma_start3A_827, %dma_start3A_828] : memref<2x1000x128xf32, #tpu.memory_space<vmem_shared>> -> memref<1x1000x128xf32, #tpu.memory_space<vmem_shared>>
        %dma_start3A_830 = tpu.memref_squeeze %dma_start3A_829 : memref<1x1000x128xf32, #tpu.memory_space<vmem_shared>> -> memref<1000x128xf32, #tpu.memory_space<vmem_shared>>
        %dma_start3A_831 = arith.constant 0 : i32
        %dma_start3A_832 = arith.constant 0 : i32
        %dma_start3A_833 = tpu.memref_slice %dma_start3A_830[%dma_start3A_831, %dma_start3A_832] : memref<1000x128xf32, #tpu.memory_space<vmem_shared>> -> memref<1000x128xf32, #tpu.memory_space<vmem_shared>>
        tpu.enqueue_indirect_dma source(%dma_start3A_833 : memref<1000x128xf32, #tpu.memory_space<vmem_shared>>) target(%arg7 : memref<128x128xf32, #tpu.memory_space<vmem>>) offsets(%dma_start3A_826 : memref<128xi32, #tpu.memory_space<vmem>>) semaphore(%arg15 : memref<!tpu.dma_semaphore, #tpu.memory_space<semaphore_mem>>)
      } else {
      }
      %jit3A_475 = arith.constant 2 : i32
      %div3A_476 = arith.divsi %add3A_459, %jit3A_475 : i32
      %sign3A_477 = arith.constant 0 : i32
      %sign3A_478 = arith.cmpi sgt, %add3A_459, %sign3A_477 : i32
      %sign3A_479 = arith.extui %sign3A_478 : i1 to i32
      %sign3A_480 = arith.constant 0 : i32
      %sign3A_481 = arith.cmpi slt, %add3A_459, %sign3A_480 : i32
      %sign3A_482 = arith.extui %sign3A_481 : i1 to i32
      %sign3A_483 = arith.subi %sign3A_479, %sign3A_482 : i32
      %sign3A_484 = arith.constant 0 : i32
      %sign3A_485 = arith.cmpi sgt, %jit3A_475, %sign3A_484 : i32
      %sign3A_486 = arith.extui %sign3A_485 : i1 to i32
      %sign3A_487 = arith.constant 0 : i32
      %sign3A_488 = arith.cmpi slt, %jit3A_475, %sign3A_487 : i32
      %sign3A_489 = arith.extui %sign3A_488 : i1 to i32
      %sign3A_490 = arith.subi %sign3A_486, %sign3A_489 : i32
      %ne3A_491 = arith.cmpi ne, %sign3A_483, %sign3A_490 : i32
      %rem3A_492 = arith.remsi %add3A_459, %jit3A_475 : i32
      %ne3A_493 = arith.constant 0 : i32
      %ne3A_494 = arith.cmpi ne, %rem3A_492, %ne3A_493 : i32
      %and3A_495 = arith.andi %ne3A_491, %ne3A_494 : i1
      %sub3A_496 = arith.constant 1 : i32
      %sub3A_497 = arith.subi %div3A_476, %sub3A_496 : i32
      %select_n3A_498 = arith.select %and3A_495, %sub3A_497, %div3A_476 : i32
      %dma_wait3A_499 = arith.constant 0 : i32
      %dma_wait3A_500 = tpu.memref_slice %arg5[%select_n3A_498, %dma_wait3A_499] : memref<32x200xi32, #tpu.memory_space<vmem>> -> memref<1x128xi32, #tpu.memory_space<vmem>>
      %dma_wait3A_501 = tpu.memref_squeeze %dma_wait3A_500 : memref<1x128xi32, #tpu.memory_space<vmem>> -> memref<128xi32, #tpu.memory_space<vmem>>
      %dma_wait3A_502 = arith.constant 0 : i32
      %dma_wait3A_503 = arith.constant 0 : i32
      %dma_wait3A_504 = tpu.memref_slice %arg6[%rem3A_5, %dma_wait3A_502, %dma_wait3A_503] : memref<2x1000x128xf32, #tpu.memory_space<vmem_shared>> -> memref<1x1000x128xf32, #tpu.memory_space<vmem_shared>>
      %dma_wait3A_505 = tpu.memref_squeeze %dma_wait3A_504 : memref<1x1000x128xf32, #tpu.memory_space<vmem_shared>> -> memref<1000x128xf32, #tpu.memory_space<vmem_shared>>
      %dma_wait3A_506 = arith.constant 0 : i32
      %dma_wait3A_507 = arith.constant 0 : i32
      %dma_wait3A_508 = tpu.memref_slice %dma_wait3A_505[%dma_wait3A_506, %dma_wait3A_507] : memref<1000x128xf32, #tpu.memory_space<vmem_shared>> -> memref<1000x128xf32, #tpu.memory_space<vmem_shared>>
      tpu.wait_indirect_dma semaphore(%arg19 : memref<!tpu.dma_semaphore, #tpu.memory_space<semaphore_mem>>) src(%dma_wait3A_508 : memref<1000x128xf32, #tpu.memory_space<vmem_shared>>) dst(%arg11 : memref<128x128xf32, #tpu.memory_space<vmem>>)
      %jit3A_509 = arith.constant 2 : i32
      %div3A_510 = arith.divsi %add3A_459, %jit3A_509 : i32
      %sign3A_511 = arith.constant 0 : i32
      %sign3A_512 = arith.cmpi sgt, %add3A_459, %sign3A_511 : i32
      %sign3A_513 = arith.extui %sign3A_512 : i1 to i32
      %sign3A_514 = arith.constant 0 : i32
      %sign3A_515 = arith.cmpi slt, %add3A_459, %sign3A_514 : i32
      %sign3A_516 = arith.extui %sign3A_515 : i1 to i32
      %sign3A_517 = arith.subi %sign3A_513, %sign3A_516 : i32
      %sign3A_518 = arith.constant 0 : i32
      %sign3A_519 = arith.cmpi sgt, %jit3A_509, %sign3A_518 : i32
      %sign3A_520 = arith.extui %sign3A_519 : i1 to i32
      %sign3A_521 = arith.constant 0 : i32
      %sign3A_522 = arith.cmpi slt, %jit3A_509, %sign3A_521 : i32
      %sign3A_523 = arith.extui %sign3A_522 : i1 to i32
      %sign3A_524 = arith.subi %sign3A_520, %sign3A_523 : i32
      %ne3A_525 = arith.cmpi ne, %sign3A_517, %sign3A_524 : i32
      %rem3A_526 = arith.remsi %add3A_459, %jit3A_509 : i32
      %ne3A_527 = arith.constant 0 : i32
      %ne3A_528 = arith.cmpi ne, %rem3A_526, %ne3A_527 : i32
      %and3A_529 = arith.andi %ne3A_525, %ne3A_528 : i1
      %sub3A_530 = arith.constant 1 : i32
      %sub3A_531 = arith.subi %div3A_510, %sub3A_530 : i32
      %select_n3A_532 = arith.select %and3A_529, %sub3A_531, %div3A_510 : i32
      %mul3A_533 = arith.constant 200 : i32
      %mul3A_534 = arith.muli %select_n3A_532, %mul3A_533 : i32
      %add3A_535 = arith.addi %mul3A_4, %mul3A_534 : i32
      %add3A_536 = arith.constant 0 : i32
      %add3A_537 = arith.addi %add3A_535, %add3A_536 : i32
      %dma_start3A_538 = arith.constant 0 : i32
      %dma_start3A_539 = tpu.memref_slice %arg4[%add3A_537, %dma_start3A_538] : memref<204800x128xf32, #tpu.memory_space<hbm>> -> memref<128x128xf32, #tpu.memory_space<hbm>>
      %dma_start3A_540 = arith.constant 0 : i32
      %dma_start3A_541 = tpu.memref_slice %arg4[%add3A_537, %dma_start3A_540] : memref<204800x128xf32, #tpu.memory_space<hbm>> -> memref<128x128xf32, #tpu.memory_space<hbm>>
      tpu.enqueue_dma source(%arg11 : memref<128x128xf32, #tpu.memory_space<vmem>>) target(%dma_start3A_541 : memref<128x128xf32, #tpu.memory_space<hbm>>) target_semaphore(%arg27 : memref<!tpu.dma_semaphore, #tpu.memory_space<semaphore_mem>>)
      %mul3A_542 = arith.constant 8 : i32
      %mul3A_543 = arith.muli %scan3A_119, %mul3A_542 : i32
      %add3A_544 = arith.constant 5 : i32
      %add3A_545 = arith.addi %mul3A_543, %add3A_544 : i32
      %add3A_546 = arith.constant 4 : i32
      %add3A_547 = arith.addi %add3A_545, %add3A_546 : i32
      %lt3A_548 = arith.constant 64 : i32
      %lt3A_549 = arith.cmpi slt, %add3A_547, %lt3A_548 : i32
      %ge3A_550 = arith.constant 4 : i32
      %ge3A_551 = arith.cmpi sge, %add3A_545, %ge3A_550 : i32
      %and3A_552 = arith.andi %lt3A_549, %ge3A_551 : i1
      %convert_element_type3A_553 = arith.extui %and3A_552 : i1 to i32
      %cond3A_554 = arith.constant 0 : i32
      %cond3A_555 = arith.cmpi ne, %convert_element_type3A_553, %cond3A_554 : i32
      scf.if %cond3A_555 {
        %sub3A_800 = arith.constant 4 : i32
        %sub3A_801 = arith.subi %add3A_545, %sub3A_800 : i32
        %jit3A_802 = arith.constant 2 : i32
        %div3A_803 = arith.divsi %sub3A_801, %jit3A_802 : i32
        %sign3A_804 = arith.constant 0 : i32
        %sign3A_805 = arith.cmpi sgt, %sub3A_801, %sign3A_804 : i32
        %sign3A_806 = arith.extui %sign3A_805 : i1 to i32
        %sign3A_807 = arith.constant 0 : i32
        %sign3A_808 = arith.cmpi slt, %sub3A_801, %sign3A_807 : i32
        %sign3A_809 = arith.extui %sign3A_808 : i1 to i32
        %sign3A_810 = arith.subi %sign3A_806, %sign3A_809 : i32
        %sign3A_811 = arith.constant 0 : i32
        %sign3A_812 = arith.cmpi sgt, %jit3A_802, %sign3A_811 : i32
        %sign3A_813 = arith.extui %sign3A_812 : i1 to i32
        %sign3A_814 = arith.constant 0 : i32
        %sign3A_815 = arith.cmpi slt, %jit3A_802, %sign3A_814 : i32
        %sign3A_816 = arith.extui %sign3A_815 : i1 to i32
        %sign3A_817 = arith.subi %sign3A_813, %sign3A_816 : i32
        %ne3A_818 = arith.cmpi ne, %sign3A_810, %sign3A_817 : i32
        %rem3A_819 = arith.remsi %sub3A_801, %jit3A_802 : i32
        %ne3A_820 = arith.constant 0 : i32
        %ne3A_821 = arith.cmpi ne, %rem3A_819, %ne3A_820 : i32
        %and3A_822 = arith.andi %ne3A_818, %ne3A_821 : i1
        %sub3A_823 = arith.constant 1 : i32
        %sub3A_824 = arith.subi %div3A_803, %sub3A_823 : i32
        %select_n3A_825 = arith.select %and3A_822, %sub3A_824, %div3A_803 : i32
        %mul3A_826 = arith.constant 200 : i32
        %mul3A_827 = arith.muli %select_n3A_825, %mul3A_826 : i32
        %add3A_828 = arith.addi %mul3A_4, %mul3A_827 : i32
        %add3A_829 = arith.constant 128 : i32
        %add3A_830 = arith.addi %add3A_828, %add3A_829 : i32
        %dma_wait3A_831 = arith.constant 0 : i32
        %dma_wait3A_832 = tpu.memref_slice %arg4[%add3A_830, %dma_wait3A_831] : memref<204800x128xf32, #tpu.memory_space<hbm>> -> memref<72x128xf32, #tpu.memory_space<hbm>>
        %dma_wait3A_833 = arith.constant 0 : i32
        %dma_wait3A_834 = tpu.memref_slice %arg4[%add3A_830, %dma_wait3A_833] : memref<204800x128xf32, #tpu.memory_space<hbm>> -> memref<72x128xf32, #tpu.memory_space<hbm>>
        tpu.wait_dma2 semaphore(%arg24 : memref<!tpu.dma_semaphore, #tpu.memory_space<semaphore_mem>>) src(%arg8 : memref<72x128xf32, #tpu.memory_space<vmem>>) dst(%dma_wait3A_834 : memref<72x128xf32, #tpu.memory_space<hbm>>)
      } else {
      }
      %lt3A_556 = arith.constant 64 : i32
      %lt3A_557 = arith.cmpi slt, %add3A_547, %lt3A_556 : i32
      %convert_element_type3A_558 = arith.extui %lt3A_557 : i1 to i32
      %cond3A_559 = arith.constant 0 : i32
      %cond3A_560 = arith.cmpi ne, %convert_element_type3A_558, %cond3A_559 : i32
      scf.if %cond3A_560 {
        %jit3A_800 = arith.constant 2 : i32
        %div3A_801 = arith.divsi %add3A_547, %jit3A_800 : i32
        %sign3A_802 = arith.constant 0 : i32
        %sign3A_803 = arith.cmpi sgt, %add3A_547, %sign3A_802 : i32
        %sign3A_804 = arith.extui %sign3A_803 : i1 to i32
        %sign3A_805 = arith.constant 0 : i32
        %sign3A_806 = arith.cmpi slt, %add3A_547, %sign3A_805 : i32
        %sign3A_807 = arith.extui %sign3A_806 : i1 to i32
        %sign3A_808 = arith.subi %sign3A_804, %sign3A_807 : i32
        %sign3A_809 = arith.constant 0 : i32
        %sign3A_810 = arith.cmpi sgt, %jit3A_800, %sign3A_809 : i32
        %sign3A_811 = arith.extui %sign3A_810 : i1 to i32
        %sign3A_812 = arith.constant 0 : i32
        %sign3A_813 = arith.cmpi slt, %jit3A_800, %sign3A_812 : i32
        %sign3A_814 = arith.extui %sign3A_813 : i1 to i32
        %sign3A_815 = arith.subi %sign3A_811, %sign3A_814 : i32
        %ne3A_816 = arith.cmpi ne, %sign3A_808, %sign3A_815 : i32
        %rem3A_817 = arith.remsi %add3A_547, %jit3A_800 : i32
        %ne3A_818 = arith.constant 0 : i32
        %ne3A_819 = arith.cmpi ne, %rem3A_817, %ne3A_818 : i32
        %and3A_820 = arith.andi %ne3A_816, %ne3A_819 : i1
        %sub3A_821 = arith.constant 1 : i32
        %sub3A_822 = arith.subi %div3A_801, %sub3A_821 : i32
        %select_n3A_823 = arith.select %and3A_820, %sub3A_822, %div3A_801 : i32
        %dma_start3A_824 = arith.constant 128 : i32
        %dma_start3A_825 = tpu.memref_slice %arg5[%select_n3A_823, %dma_start3A_824] : memref<32x200xi32, #tpu.memory_space<vmem>> -> memref<1x72xi32, #tpu.memory_space<vmem>>
        %dma_start3A_826 = tpu.memref_squeeze %dma_start3A_825 : memref<1x72xi32, #tpu.memory_space<vmem>> -> memref<72xi32, #tpu.memory_space<vmem>>
        %dma_start3A_827 = arith.constant 0 : i32
        %dma_start3A_828 = arith.constant 0 : i32
        %dma_start3A_829 = tpu.memref_slice %arg6[%rem3A_5, %dma_start3A_827, %dma_start3A_828] : memref<2x1000x128xf32, #tpu.memory_space<vmem_shared>> -> memref<1x1000x128xf32, #tpu.memory_space<vmem_shared>>
        %dma_start3A_830 = tpu.memref_squeeze %dma_start3A_829 : memref<1x1000x128xf32, #tpu.memory_space<vmem_shared>> -> memref<1000x128xf32, #tpu.memory_space<vmem_shared>>
        %dma_start3A_831 = arith.constant 0 : i32
        %dma_start3A_832 = arith.constant 0 : i32
        %dma_start3A_833 = tpu.memref_slice %dma_start3A_830[%dma_start3A_831, %dma_start3A_832] : memref<1000x128xf32, #tpu.memory_space<vmem_shared>> -> memref<1000x128xf32, #tpu.memory_space<vmem_shared>>
        tpu.enqueue_indirect_dma source(%dma_start3A_833 : memref<1000x128xf32, #tpu.memory_space<vmem_shared>>) target(%arg8 : memref<72x128xf32, #tpu.memory_space<vmem>>) offsets(%dma_start3A_826 : memref<72xi32, #tpu.memory_space<vmem>>) semaphore(%arg16 : memref<!tpu.dma_semaphore, #tpu.memory_space<semaphore_mem>>)
      } else {
      }
      %jit3A_561 = arith.constant 2 : i32
      %div3A_562 = arith.divsi %add3A_545, %jit3A_561 : i32
      %sign3A_563 = arith.constant 0 : i32
      %sign3A_564 = arith.cmpi sgt, %add3A_545, %sign3A_563 : i32
      %sign3A_565 = arith.extui %sign3A_564 : i1 to i32
      %sign3A_566 = arith.constant 0 : i32
      %sign3A_567 = arith.cmpi slt, %add3A_545, %sign3A_566 : i32
      %sign3A_568 = arith.extui %sign3A_567 : i1 to i32
      %sign3A_569 = arith.subi %sign3A_565, %sign3A_568 : i32
      %sign3A_570 = arith.constant 0 : i32
      %sign3A_571 = arith.cmpi sgt, %jit3A_561, %sign3A_570 : i32
      %sign3A_572 = arith.extui %sign3A_571 : i1 to i32
      %sign3A_573 = arith.constant 0 : i32
      %sign3A_574 = arith.cmpi slt, %jit3A_561, %sign3A_573 : i32
      %sign3A_575 = arith.extui %sign3A_574 : i1 to i32
      %sign3A_576 = arith.subi %sign3A_572, %sign3A_575 : i32
      %ne3A_577 = arith.cmpi ne, %sign3A_569, %sign3A_576 : i32
      %rem3A_578 = arith.remsi %add3A_545, %jit3A_561 : i32
      %ne3A_579 = arith.constant 0 : i32
      %ne3A_580 = arith.cmpi ne, %rem3A_578, %ne3A_579 : i32
      %and3A_581 = arith.andi %ne3A_577, %ne3A_580 : i1
      %sub3A_582 = arith.constant 1 : i32
      %sub3A_583 = arith.subi %div3A_562, %sub3A_582 : i32
      %select_n3A_584 = arith.select %and3A_581, %sub3A_583, %div3A_562 : i32
      %dma_wait3A_585 = arith.constant 128 : i32
      %dma_wait3A_586 = tpu.memref_slice %arg5[%select_n3A_584, %dma_wait3A_585] : memref<32x200xi32, #tpu.memory_space<vmem>> -> memref<1x72xi32, #tpu.memory_space<vmem>>
      %dma_wait3A_587 = tpu.memref_squeeze %dma_wait3A_586 : memref<1x72xi32, #tpu.memory_space<vmem>> -> memref<72xi32, #tpu.memory_space<vmem>>
      %dma_wait3A_588 = arith.constant 0 : i32
      %dma_wait3A_589 = arith.constant 0 : i32
      %dma_wait3A_590 = tpu.memref_slice %arg6[%rem3A_5, %dma_wait3A_588, %dma_wait3A_589] : memref<2x1000x128xf32, #tpu.memory_space<vmem_shared>> -> memref<1x1000x128xf32, #tpu.memory_space<vmem_shared>>
      %dma_wait3A_591 = tpu.memref_squeeze %dma_wait3A_590 : memref<1x1000x128xf32, #tpu.memory_space<vmem_shared>> -> memref<1000x128xf32, #tpu.memory_space<vmem_shared>>
      %dma_wait3A_592 = arith.constant 0 : i32
      %dma_wait3A_593 = arith.constant 0 : i32
      %dma_wait3A_594 = tpu.memref_slice %dma_wait3A_591[%dma_wait3A_592, %dma_wait3A_593] : memref<1000x128xf32, #tpu.memory_space<vmem_shared>> -> memref<1000x128xf32, #tpu.memory_space<vmem_shared>>
      tpu.wait_indirect_dma semaphore(%arg20 : memref<!tpu.dma_semaphore, #tpu.memory_space<semaphore_mem>>) src(%dma_wait3A_594 : memref<1000x128xf32, #tpu.memory_space<vmem_shared>>) dst(%arg12 : memref<72x128xf32, #tpu.memory_space<vmem>>)
      %jit3A_595 = arith.constant 2 : i32
      %div3A_596 = arith.divsi %add3A_545, %jit3A_595 : i32
      %sign3A_597 = arith.constant 0 : i32
      %sign3A_598 = arith.cmpi sgt, %add3A_545, %sign3A_597 : i32
      %sign3A_599 = arith.extui %sign3A_598 : i1 to i32
      %sign3A_600 = arith.constant 0 : i32
      %sign3A_601 = arith.cmpi slt, %add3A_545, %sign3A_600 : i32
      %sign3A_602 = arith.extui %sign3A_601 : i1 to i32
      %sign3A_603 = arith.subi %sign3A_599, %sign3A_602 : i32
      %sign3A_604 = arith.constant 0 : i32
      %sign3A_605 = arith.cmpi sgt, %jit3A_595, %sign3A_604 : i32
      %sign3A_606 = arith.extui %sign3A_605 : i1 to i32
      %sign3A_607 = arith.constant 0 : i32
      %sign3A_608 = arith.cmpi slt, %jit3A_595, %sign3A_607 : i32
      %sign3A_609 = arith.extui %sign3A_608 : i1 to i32
      %sign3A_610 = arith.subi %sign3A_606, %sign3A_609 : i32
      %ne3A_611 = arith.cmpi ne, %sign3A_603, %sign3A_610 : i32
      %rem3A_612 = arith.remsi %add3A_545, %jit3A_595 : i32
      %ne3A_613 = arith.constant 0 : i32
      %ne3A_614 = arith.cmpi ne, %rem3A_612, %ne3A_613 : i32
      %and3A_615 = arith.andi %ne3A_611, %ne3A_614 : i1
      %sub3A_616 = arith.constant 1 : i32
      %sub3A_617 = arith.subi %div3A_596, %sub3A_616 : i32
      %select_n3A_618 = arith.select %and3A_615, %sub3A_617, %div3A_596 : i32
      %mul3A_619 = arith.constant 200 : i32
      %mul3A_620 = arith.muli %select_n3A_618, %mul3A_619 : i32
      %add3A_621 = arith.addi %mul3A_4, %mul3A_620 : i32
      %add3A_622 = arith.constant 128 : i32
      %add3A_623 = arith.addi %add3A_621, %add3A_622 : i32
      %dma_start3A_624 = arith.constant 0 : i32
      %dma_start3A_625 = tpu.memref_slice %arg4[%add3A_623, %dma_start3A_624] : memref<204800x128xf32, #tpu.memory_space<hbm>> -> memref<72x128xf32, #tpu.memory_space<hbm>>
      %dma_start3A_626 = arith.constant 0 : i32
      %dma_start3A_627 = tpu.memref_slice %arg4[%add3A_623, %dma_start3A_626] : memref<204800x128xf32, #tpu.memory_space<hbm>> -> memref<72x128xf32, #tpu.memory_space<hbm>>
      tpu.enqueue_dma source(%arg12 : memref<72x128xf32, #tpu.memory_space<vmem>>) target(%dma_start3A_627 : memref<72x128xf32, #tpu.memory_space<hbm>>) target_semaphore(%arg28 : memref<!tpu.dma_semaphore, #tpu.memory_space<semaphore_mem>>)
      %mul3A_628 = arith.constant 8 : i32
      %mul3A_629 = arith.muli %scan3A_119, %mul3A_628 : i32
      %add3A_630 = arith.constant 6 : i32
      %add3A_631 = arith.addi %mul3A_629, %add3A_630 : i32
      %add3A_632 = arith.constant 4 : i32
      %add3A_633 = arith.addi %add3A_631, %add3A_632 : i32
      %lt3A_634 = arith.constant 64 : i32
      %lt3A_635 = arith.cmpi slt, %add3A_633, %lt3A_634 : i32
      %ge3A_636 = arith.constant 4 : i32
      %ge3A_637 = arith.cmpi sge, %add3A_631, %ge3A_636 : i32
      %and3A_638 = arith.andi %lt3A_635, %ge3A_637 : i1
      %convert_element_type3A_639 = arith.extui %and3A_638 : i1 to i32
      %cond3A_640 = arith.constant 0 : i32
      %cond3A_641 = arith.cmpi ne, %convert_element_type3A_639, %cond3A_640 : i32
      scf.if %cond3A_641 {
        %sub3A_800 = arith.constant 4 : i32
        %sub3A_801 = arith.subi %add3A_631, %sub3A_800 : i32
        %jit3A_802 = arith.constant 2 : i32
        %div3A_803 = arith.divsi %sub3A_801, %jit3A_802 : i32
        %sign3A_804 = arith.constant 0 : i32
        %sign3A_805 = arith.cmpi sgt, %sub3A_801, %sign3A_804 : i32
        %sign3A_806 = arith.extui %sign3A_805 : i1 to i32
        %sign3A_807 = arith.constant 0 : i32
        %sign3A_808 = arith.cmpi slt, %sub3A_801, %sign3A_807 : i32
        %sign3A_809 = arith.extui %sign3A_808 : i1 to i32
        %sign3A_810 = arith.subi %sign3A_806, %sign3A_809 : i32
        %sign3A_811 = arith.constant 0 : i32
        %sign3A_812 = arith.cmpi sgt, %jit3A_802, %sign3A_811 : i32
        %sign3A_813 = arith.extui %sign3A_812 : i1 to i32
        %sign3A_814 = arith.constant 0 : i32
        %sign3A_815 = arith.cmpi slt, %jit3A_802, %sign3A_814 : i32
        %sign3A_816 = arith.extui %sign3A_815 : i1 to i32
        %sign3A_817 = arith.subi %sign3A_813, %sign3A_816 : i32
        %ne3A_818 = arith.cmpi ne, %sign3A_810, %sign3A_817 : i32
        %rem3A_819 = arith.remsi %sub3A_801, %jit3A_802 : i32
        %ne3A_820 = arith.constant 0 : i32
        %ne3A_821 = arith.cmpi ne, %rem3A_819, %ne3A_820 : i32
        %and3A_822 = arith.andi %ne3A_818, %ne3A_821 : i1
        %sub3A_823 = arith.constant 1 : i32
        %sub3A_824 = arith.subi %div3A_803, %sub3A_823 : i32
        %select_n3A_825 = arith.select %and3A_822, %sub3A_824, %div3A_803 : i32
        %mul3A_826 = arith.constant 200 : i32
        %mul3A_827 = arith.muli %select_n3A_825, %mul3A_826 : i32
        %add3A_828 = arith.addi %mul3A_4, %mul3A_827 : i32
        %add3A_829 = arith.constant 0 : i32
        %add3A_830 = arith.addi %add3A_828, %add3A_829 : i32
        %dma_wait3A_831 = arith.constant 0 : i32
        %dma_wait3A_832 = tpu.memref_slice %arg4[%add3A_830, %dma_wait3A_831] : memref<204800x128xf32, #tpu.memory_space<hbm>> -> memref<128x128xf32, #tpu.memory_space<hbm>>
        %dma_wait3A_833 = arith.constant 0 : i32
        %dma_wait3A_834 = tpu.memref_slice %arg4[%add3A_830, %dma_wait3A_833] : memref<204800x128xf32, #tpu.memory_space<hbm>> -> memref<128x128xf32, #tpu.memory_space<hbm>>
        tpu.wait_dma2 semaphore(%arg25 : memref<!tpu.dma_semaphore, #tpu.memory_space<semaphore_mem>>) src(%arg9 : memref<128x128xf32, #tpu.memory_space<vmem>>) dst(%dma_wait3A_834 : memref<128x128xf32, #tpu.memory_space<hbm>>)
      } else {
      }
      %lt3A_642 = arith.constant 64 : i32
      %lt3A_643 = arith.cmpi slt, %add3A_633, %lt3A_642 : i32
      %convert_element_type3A_644 = arith.extui %lt3A_643 : i1 to i32
      %cond3A_645 = arith.constant 0 : i32
      %cond3A_646 = arith.cmpi ne, %convert_element_type3A_644, %cond3A_645 : i32
      scf.if %cond3A_646 {
        %jit3A_800 = arith.constant 2 : i32
        %div3A_801 = arith.divsi %add3A_633, %jit3A_800 : i32
        %sign3A_802 = arith.constant 0 : i32
        %sign3A_803 = arith.cmpi sgt, %add3A_633, %sign3A_802 : i32
        %sign3A_804 = arith.extui %sign3A_803 : i1 to i32
        %sign3A_805 = arith.constant 0 : i32
        %sign3A_806 = arith.cmpi slt, %add3A_633, %sign3A_805 : i32
        %sign3A_807 = arith.extui %sign3A_806 : i1 to i32
        %sign3A_808 = arith.subi %sign3A_804, %sign3A_807 : i32
        %sign3A_809 = arith.constant 0 : i32
        %sign3A_810 = arith.cmpi sgt, %jit3A_800, %sign3A_809 : i32
        %sign3A_811 = arith.extui %sign3A_810 : i1 to i32
        %sign3A_812 = arith.constant 0 : i32
        %sign3A_813 = arith.cmpi slt, %jit3A_800, %sign3A_812 : i32
        %sign3A_814 = arith.extui %sign3A_813 : i1 to i32
        %sign3A_815 = arith.subi %sign3A_811, %sign3A_814 : i32
        %ne3A_816 = arith.cmpi ne, %sign3A_808, %sign3A_815 : i32
        %rem3A_817 = arith.remsi %add3A_633, %jit3A_800 : i32
        %ne3A_818 = arith.constant 0 : i32
        %ne3A_819 = arith.cmpi ne, %rem3A_817, %ne3A_818 : i32
        %and3A_820 = arith.andi %ne3A_816, %ne3A_819 : i1
        %sub3A_821 = arith.constant 1 : i32
        %sub3A_822 = arith.subi %div3A_801, %sub3A_821 : i32
        %select_n3A_823 = arith.select %and3A_820, %sub3A_822, %div3A_801 : i32
        %dma_start3A_824 = arith.constant 0 : i32
        %dma_start3A_825 = tpu.memref_slice %arg5[%select_n3A_823, %dma_start3A_824] : memref<32x200xi32, #tpu.memory_space<vmem>> -> memref<1x128xi32, #tpu.memory_space<vmem>>
        %dma_start3A_826 = tpu.memref_squeeze %dma_start3A_825 : memref<1x128xi32, #tpu.memory_space<vmem>> -> memref<128xi32, #tpu.memory_space<vmem>>
        %dma_start3A_827 = arith.constant 0 : i32
        %dma_start3A_828 = arith.constant 0 : i32
        %dma_start3A_829 = tpu.memref_slice %arg6[%rem3A_5, %dma_start3A_827, %dma_start3A_828] : memref<2x1000x128xf32, #tpu.memory_space<vmem_shared>> -> memref<1x1000x128xf32, #tpu.memory_space<vmem_shared>>
        %dma_start3A_830 = tpu.memref_squeeze %dma_start3A_829 : memref<1x1000x128xf32, #tpu.memory_space<vmem_shared>> -> memref<1000x128xf32, #tpu.memory_space<vmem_shared>>
        %dma_start3A_831 = arith.constant 0 : i32
        %dma_start3A_832 = arith.constant 0 : i32
        %dma_start3A_833 = tpu.memref_slice %dma_start3A_830[%dma_start3A_831, %dma_start3A_832] : memref<1000x128xf32, #tpu.memory_space<vmem_shared>> -> memref<1000x128xf32, #tpu.memory_space<vmem_shared>>
        tpu.enqueue_indirect_dma source(%dma_start3A_833 : memref<1000x128xf32, #tpu.memory_space<vmem_shared>>) target(%arg9 : memref<128x128xf32, #tpu.memory_space<vmem>>) offsets(%dma_start3A_826 : memref<128xi32, #tpu.memory_space<vmem>>) semaphore(%arg17 : memref<!tpu.dma_semaphore, #tpu.memory_space<semaphore_mem>>)
      } else {
      }
      %jit3A_647 = arith.constant 2 : i32
      %div3A_648 = arith.divsi %add3A_631, %jit3A_647 : i32
      %sign3A_649 = arith.constant 0 : i32
      %sign3A_650 = arith.cmpi sgt, %add3A_631, %sign3A_649 : i32
      %sign3A_651 = arith.extui %sign3A_650 : i1 to i32
      %sign3A_652 = arith.constant 0 : i32
      %sign3A_653 = arith.cmpi slt, %add3A_631, %sign3A_652 : i32
      %sign3A_654 = arith.extui %sign3A_653 : i1 to i32
      %sign3A_655 = arith.subi %sign3A_651, %sign3A_654 : i32
      %sign3A_656 = arith.constant 0 : i32
      %sign3A_657 = arith.cmpi sgt, %jit3A_647, %sign3A_656 : i32
      %sign3A_658 = arith.extui %sign3A_657 : i1 to i32
      %sign3A_659 = arith.constant 0 : i32
      %sign3A_660 = arith.cmpi slt, %jit3A_647, %sign3A_659 : i32
      %sign3A_661 = arith.extui %sign3A_660 : i1 to i32
      %sign3A_662 = arith.subi %sign3A_658, %sign3A_661 : i32
      %ne3A_663 = arith.cmpi ne, %sign3A_655, %sign3A_662 : i32
      %rem3A_664 = arith.remsi %add3A_631, %jit3A_647 : i32
      %ne3A_665 = arith.constant 0 : i32
      %ne3A_666 = arith.cmpi ne, %rem3A_664, %ne3A_665 : i32
      %and3A_667 = arith.andi %ne3A_663, %ne3A_666 : i1
      %sub3A_668 = arith.constant 1 : i32
      %sub3A_669 = arith.subi %div3A_648, %sub3A_668 : i32
      %select_n3A_670 = arith.select %and3A_667, %sub3A_669, %div3A_648 : i32
      %dma_wait3A_671 = arith.constant 0 : i32
      %dma_wait3A_672 = tpu.memref_slice %arg5[%select_n3A_670, %dma_wait3A_671] : memref<32x200xi32, #tpu.memory_space<vmem>> -> memref<1x128xi32, #tpu.memory_space<vmem>>
      %dma_wait3A_673 = tpu.memref_squeeze %dma_wait3A_672 : memref<1x128xi32, #tpu.memory_space<vmem>> -> memref<128xi32, #tpu.memory_space<vmem>>
      %dma_wait3A_674 = arith.constant 0 : i32
      %dma_wait3A_675 = arith.constant 0 : i32
      %dma_wait3A_676 = tpu.memref_slice %arg6[%rem3A_5, %dma_wait3A_674, %dma_wait3A_675] : memref<2x1000x128xf32, #tpu.memory_space<vmem_shared>> -> memref<1x1000x128xf32, #tpu.memory_space<vmem_shared>>
      %dma_wait3A_677 = tpu.memref_squeeze %dma_wait3A_676 : memref<1x1000x128xf32, #tpu.memory_space<vmem_shared>> -> memref<1000x128xf32, #tpu.memory_space<vmem_shared>>
      %dma_wait3A_678 = arith.constant 0 : i32
      %dma_wait3A_679 = arith.constant 0 : i32
      %dma_wait3A_680 = tpu.memref_slice %dma_wait3A_677[%dma_wait3A_678, %dma_wait3A_679] : memref<1000x128xf32, #tpu.memory_space<vmem_shared>> -> memref<1000x128xf32, #tpu.memory_space<vmem_shared>>
      tpu.wait_indirect_dma semaphore(%arg21 : memref<!tpu.dma_semaphore, #tpu.memory_space<semaphore_mem>>) src(%dma_wait3A_680 : memref<1000x128xf32, #tpu.memory_space<vmem_shared>>) dst(%arg13 : memref<128x128xf32, #tpu.memory_space<vmem>>)
      %jit3A_681 = arith.constant 2 : i32
      %div3A_682 = arith.divsi %add3A_631, %jit3A_681 : i32
      %sign3A_683 = arith.constant 0 : i32
      %sign3A_684 = arith.cmpi sgt, %add3A_631, %sign3A_683 : i32
      %sign3A_685 = arith.extui %sign3A_684 : i1 to i32
      %sign3A_686 = arith.constant 0 : i32
      %sign3A_687 = arith.cmpi slt, %add3A_631, %sign3A_686 : i32
      %sign3A_688 = arith.extui %sign3A_687 : i1 to i32
      %sign3A_689 = arith.subi %sign3A_685, %sign3A_688 : i32
      %sign3A_690 = arith.constant 0 : i32
      %sign3A_691 = arith.cmpi sgt, %jit3A_681, %sign3A_690 : i32
      %sign3A_692 = arith.extui %sign3A_691 : i1 to i32
      %sign3A_693 = arith.constant 0 : i32
      %sign3A_694 = arith.cmpi slt, %jit3A_681, %sign3A_693 : i32
      %sign3A_695 = arith.extui %sign3A_694 : i1 to i32
      %sign3A_696 = arith.subi %sign3A_692, %sign3A_695 : i32
      %ne3A_697 = arith.cmpi ne, %sign3A_689, %sign3A_696 : i32
      %rem3A_698 = arith.remsi %add3A_631, %jit3A_681 : i32
      %ne3A_699 = arith.constant 0 : i32
      %ne3A_700 = arith.cmpi ne, %rem3A_698, %ne3A_699 : i32
      %and3A_701 = arith.andi %ne3A_697, %ne3A_700 : i1
      %sub3A_702 = arith.constant 1 : i32
      %sub3A_703 = arith.subi %div3A_682, %sub3A_702 : i32
      %select_n3A_704 = arith.select %and3A_701, %sub3A_703, %div3A_682 : i32
      %mul3A_705 = arith.constant 200 : i32
      %mul3A_706 = arith.muli %select_n3A_704, %mul3A_705 : i32
      %add3A_707 = arith.addi %mul3A_4, %mul3A_706 : i32
      %add3A_708 = arith.constant 0 : i32
      %add3A_709 = arith.addi %add3A_707, %add3A_708 : i32
      %dma_start3A_710 = arith.constant 0 : i32
      %dma_start3A_711 = tpu.memref_slice %arg4[%add3A_709, %dma_start3A_710] : memref<204800x128xf32, #tpu.memory_space<hbm>> -> memref<128x128xf32, #tpu.memory_space<hbm>>
      %dma_start3A_712 = arith.constant 0 : i32
      %dma_start3A_713 = tpu.memref_slice %arg4[%add3A_709, %dma_start3A_712] : memref<204800x128xf32, #tpu.memory_space<hbm>> -> memref<128x128xf32, #tpu.memory_space<hbm>>
      tpu.enqueue_dma source(%arg13 : memref<128x128xf32, #tpu.memory_space<vmem>>) target(%dma_start3A_713 : memref<128x128xf32, #tpu.memory_space<hbm>>) target_semaphore(%arg29 : memref<!tpu.dma_semaphore, #tpu.memory_space<semaphore_mem>>)
      %mul3A_714 = arith.constant 8 : i32
      %mul3A_715 = arith.muli %scan3A_119, %mul3A_714 : i32
      %add3A_716 = arith.constant 7 : i32
      %add3A_717 = arith.addi %mul3A_715, %add3A_716 : i32
      %add3A_718 = arith.constant 4 : i32
      %add3A_719 = arith.addi %add3A_717, %add3A_718 : i32
      %lt3A_720 = arith.constant 64 : i32
      %lt3A_721 = arith.cmpi slt, %add3A_719, %lt3A_720 : i32
      %ge3A_722 = arith.constant 4 : i32
      %ge3A_723 = arith.cmpi sge, %add3A_717, %ge3A_722 : i32
      %and3A_724 = arith.andi %lt3A_721, %ge3A_723 : i1
      %convert_element_type3A_725 = arith.extui %and3A_724 : i1 to i32
      %cond3A_726 = arith.constant 0 : i32
      %cond3A_727 = arith.cmpi ne, %convert_element_type3A_725, %cond3A_726 : i32
      scf.if %cond3A_727 {
        %sub3A_800 = arith.constant 4 : i32
        %sub3A_801 = arith.subi %add3A_717, %sub3A_800 : i32
        %jit3A_802 = arith.constant 2 : i32
        %div3A_803 = arith.divsi %sub3A_801, %jit3A_802 : i32
        %sign3A_804 = arith.constant 0 : i32
        %sign3A_805 = arith.cmpi sgt, %sub3A_801, %sign3A_804 : i32
        %sign3A_806 = arith.extui %sign3A_805 : i1 to i32
        %sign3A_807 = arith.constant 0 : i32
        %sign3A_808 = arith.cmpi slt, %sub3A_801, %sign3A_807 : i32
        %sign3A_809 = arith.extui %sign3A_808 : i1 to i32
        %sign3A_810 = arith.subi %sign3A_806, %sign3A_809 : i32
        %sign3A_811 = arith.constant 0 : i32
        %sign3A_812 = arith.cmpi sgt, %jit3A_802, %sign3A_811 : i32
        %sign3A_813 = arith.extui %sign3A_812 : i1 to i32
        %sign3A_814 = arith.constant 0 : i32
        %sign3A_815 = arith.cmpi slt, %jit3A_802, %sign3A_814 : i32
        %sign3A_816 = arith.extui %sign3A_815 : i1 to i32
        %sign3A_817 = arith.subi %sign3A_813, %sign3A_816 : i32
        %ne3A_818 = arith.cmpi ne, %sign3A_810, %sign3A_817 : i32
        %rem3A_819 = arith.remsi %sub3A_801, %jit3A_802 : i32
        %ne3A_820 = arith.constant 0 : i32
        %ne3A_821 = arith.cmpi ne, %rem3A_819, %ne3A_820 : i32
        %and3A_822 = arith.andi %ne3A_818, %ne3A_821 : i1
        %sub3A_823 = arith.constant 1 : i32
        %sub3A_824 = arith.subi %div3A_803, %sub3A_823 : i32
        %select_n3A_825 = arith.select %and3A_822, %sub3A_824, %div3A_803 : i32
        %mul3A_826 = arith.constant 200 : i32
        %mul3A_827 = arith.muli %select_n3A_825, %mul3A_826 : i32
        %add3A_828 = arith.addi %mul3A_4, %mul3A_827 : i32
        %add3A_829 = arith.constant 128 : i32
        %add3A_830 = arith.addi %add3A_828, %add3A_829 : i32
        %dma_wait3A_831 = arith.constant 0 : i32
        %dma_wait3A_832 = tpu.memref_slice %arg4[%add3A_830, %dma_wait3A_831] : memref<204800x128xf32, #tpu.memory_space<hbm>> -> memref<72x128xf32, #tpu.memory_space<hbm>>
        %dma_wait3A_833 = arith.constant 0 : i32
        %dma_wait3A_834 = tpu.memref_slice %arg4[%add3A_830, %dma_wait3A_833] : memref<204800x128xf32, #tpu.memory_space<hbm>> -> memref<72x128xf32, #tpu.memory_space<hbm>>
        tpu.wait_dma2 semaphore(%arg26 : memref<!tpu.dma_semaphore, #tpu.memory_space<semaphore_mem>>) src(%arg10 : memref<72x128xf32, #tpu.memory_space<vmem>>) dst(%dma_wait3A_834 : memref<72x128xf32, #tpu.memory_space<hbm>>)
      } else {
      }
      %lt3A_728 = arith.constant 64 : i32
      %lt3A_729 = arith.cmpi slt, %add3A_719, %lt3A_728 : i32
      %convert_element_type3A_730 = arith.extui %lt3A_729 : i1 to i32
      %cond3A_731 = arith.constant 0 : i32
      %cond3A_732 = arith.cmpi ne, %convert_element_type3A_730, %cond3A_731 : i32
      scf.if %cond3A_732 {
        %jit3A_800 = arith.constant 2 : i32
        %div3A_801 = arith.divsi %add3A_719, %jit3A_800 : i32
        %sign3A_802 = arith.constant 0 : i32
        %sign3A_803 = arith.cmpi sgt, %add3A_719, %sign3A_802 : i32
        %sign3A_804 = arith.extui %sign3A_803 : i1 to i32
        %sign3A_805 = arith.constant 0 : i32
        %sign3A_806 = arith.cmpi slt, %add3A_719, %sign3A_805 : i32
        %sign3A_807 = arith.extui %sign3A_806 : i1 to i32
        %sign3A_808 = arith.subi %sign3A_804, %sign3A_807 : i32
        %sign3A_809 = arith.constant 0 : i32
        %sign3A_810 = arith.cmpi sgt, %jit3A_800, %sign3A_809 : i32
        %sign3A_811 = arith.extui %sign3A_810 : i1 to i32
        %sign3A_812 = arith.constant 0 : i32
        %sign3A_813 = arith.cmpi slt, %jit3A_800, %sign3A_812 : i32
        %sign3A_814 = arith.extui %sign3A_813 : i1 to i32
        %sign3A_815 = arith.subi %sign3A_811, %sign3A_814 : i32
        %ne3A_816 = arith.cmpi ne, %sign3A_808, %sign3A_815 : i32
        %rem3A_817 = arith.remsi %add3A_719, %jit3A_800 : i32
        %ne3A_818 = arith.constant 0 : i32
        %ne3A_819 = arith.cmpi ne, %rem3A_817, %ne3A_818 : i32
        %and3A_820 = arith.andi %ne3A_816, %ne3A_819 : i1
        %sub3A_821 = arith.constant 1 : i32
        %sub3A_822 = arith.subi %div3A_801, %sub3A_821 : i32
        %select_n3A_823 = arith.select %and3A_820, %sub3A_822, %div3A_801 : i32
        %dma_start3A_824 = arith.constant 128 : i32
        %dma_start3A_825 = tpu.memref_slice %arg5[%select_n3A_823, %dma_start3A_824] : memref<32x200xi32, #tpu.memory_space<vmem>> -> memref<1x72xi32, #tpu.memory_space<vmem>>
        %dma_start3A_826 = tpu.memref_squeeze %dma_start3A_825 : memref<1x72xi32, #tpu.memory_space<vmem>> -> memref<72xi32, #tpu.memory_space<vmem>>
        %dma_start3A_827 = arith.constant 0 : i32
        %dma_start3A_828 = arith.constant 0 : i32
        %dma_start3A_829 = tpu.memref_slice %arg6[%rem3A_5, %dma_start3A_827, %dma_start3A_828] : memref<2x1000x128xf32, #tpu.memory_space<vmem_shared>> -> memref<1x1000x128xf32, #tpu.memory_space<vmem_shared>>
        %dma_start3A_830 = tpu.memref_squeeze %dma_start3A_829 : memref<1x1000x128xf32, #tpu.memory_space<vmem_shared>> -> memref<1000x128xf32, #tpu.memory_space<vmem_shared>>
        %dma_start3A_831 = arith.constant 0 : i32
        %dma_start3A_832 = arith.constant 0 : i32
        %dma_start3A_833 = tpu.memref_slice %dma_start3A_830[%dma_start3A_831, %dma_start3A_832] : memref<1000x128xf32, #tpu.memory_space<vmem_shared>> -> memref<1000x128xf32, #tpu.memory_space<vmem_shared>>
        tpu.enqueue_indirect_dma source(%dma_start3A_833 : memref<1000x128xf32, #tpu.memory_space<vmem_shared>>) target(%arg10 : memref<72x128xf32, #tpu.memory_space<vmem>>) offsets(%dma_start3A_826 : memref<72xi32, #tpu.memory_space<vmem>>) semaphore(%arg18 : memref<!tpu.dma_semaphore, #tpu.memory_space<semaphore_mem>>)
      } else {
      }
      %jit3A_733 = arith.constant 2 : i32
      %div3A_734 = arith.divsi %add3A_717, %jit3A_733 : i32
      %sign3A_735 = arith.constant 0 : i32
      %sign3A_736 = arith.cmpi sgt, %add3A_717, %sign3A_735 : i32
      %sign3A_737 = arith.extui %sign3A_736 : i1 to i32
      %sign3A_738 = arith.constant 0 : i32
      %sign3A_739 = arith.cmpi slt, %add3A_717, %sign3A_738 : i32
      %sign3A_740 = arith.extui %sign3A_739 : i1 to i32
      %sign3A_741 = arith.subi %sign3A_737, %sign3A_740 : i32
      %sign3A_742 = arith.constant 0 : i32
      %sign3A_743 = arith.cmpi sgt, %jit3A_733, %sign3A_742 : i32
      %sign3A_744 = arith.extui %sign3A_743 : i1 to i32
      %sign3A_745 = arith.constant 0 : i32
      %sign3A_746 = arith.cmpi slt, %jit3A_733, %sign3A_745 : i32
      %sign3A_747 = arith.extui %sign3A_746 : i1 to i32
      %sign3A_748 = arith.subi %sign3A_744, %sign3A_747 : i32
      %ne3A_749 = arith.cmpi ne, %sign3A_741, %sign3A_748 : i32
      %rem3A_750 = arith.remsi %add3A_717, %jit3A_733 : i32
      %ne3A_751 = arith.constant 0 : i32
      %ne3A_752 = arith.cmpi ne, %rem3A_750, %ne3A_751 : i32
      %and3A_753 = arith.andi %ne3A_749, %ne3A_752 : i1
      %sub3A_754 = arith.constant 1 : i32
      %sub3A_755 = arith.subi %div3A_734, %sub3A_754 : i32
      %select_n3A_756 = arith.select %and3A_753, %sub3A_755, %div3A_734 : i32
      %dma_wait3A_757 = arith.constant 128 : i32
      %dma_wait3A_758 = tpu.memref_slice %arg5[%select_n3A_756, %dma_wait3A_757] : memref<32x200xi32, #tpu.memory_space<vmem>> -> memref<1x72xi32, #tpu.memory_space<vmem>>
      %dma_wait3A_759 = tpu.memref_squeeze %dma_wait3A_758 : memref<1x72xi32, #tpu.memory_space<vmem>> -> memref<72xi32, #tpu.memory_space<vmem>>
      %dma_wait3A_760 = arith.constant 0 : i32
      %dma_wait3A_761 = arith.constant 0 : i32
      %dma_wait3A_762 = tpu.memref_slice %arg6[%rem3A_5, %dma_wait3A_760, %dma_wait3A_761] : memref<2x1000x128xf32, #tpu.memory_space<vmem_shared>> -> memref<1x1000x128xf32, #tpu.memory_space<vmem_shared>>
      %dma_wait3A_763 = tpu.memref_squeeze %dma_wait3A_762 : memref<1x1000x128xf32, #tpu.memory_space<vmem_shared>> -> memref<1000x128xf32, #tpu.memory_space<vmem_shared>>
      %dma_wait3A_764 = arith.constant 0 : i32
      %dma_wait3A_765 = arith.constant 0 : i32
      %dma_wait3A_766 = tpu.memref_slice %dma_wait3A_763[%dma_wait3A_764, %dma_wait3A_765] : memref<1000x128xf32, #tpu.memory_space<vmem_shared>> -> memref<1000x128xf32, #tpu.memory_space<vmem_shared>>
      tpu.wait_indirect_dma semaphore(%arg22 : memref<!tpu.dma_semaphore, #tpu.memory_space<semaphore_mem>>) src(%dma_wait3A_766 : memref<1000x128xf32, #tpu.memory_space<vmem_shared>>) dst(%arg14 : memref<72x128xf32, #tpu.memory_space<vmem>>)
      %jit3A_767 = arith.constant 2 : i32
      %div3A_768 = arith.divsi %add3A_717, %jit3A_767 : i32
      %sign3A_769 = arith.constant 0 : i32
      %sign3A_770 = arith.cmpi sgt, %add3A_717, %sign3A_769 : i32
      %sign3A_771 = arith.extui %sign3A_770 : i1 to i32
      %sign3A_772 = arith.constant 0 : i32
      %sign3A_773 = arith.cmpi slt, %add3A_717, %sign3A_772 : i32
      %sign3A_774 = arith.extui %sign3A_773 : i1 to i32
      %sign3A_775 = arith.subi %sign3A_771, %sign3A_774 : i32
      %sign3A_776 = arith.constant 0 : i32
      %sign3A_777 = arith.cmpi sgt, %jit3A_767, %sign3A_776 : i32
      %sign3A_778 = arith.extui %sign3A_777 : i1 to i32
      %sign3A_779 = arith.constant 0 : i32
      %sign3A_780 = arith.cmpi slt, %jit3A_767, %sign3A_779 : i32
      %sign3A_781 = arith.extui %sign3A_780 : i1 to i32
      %sign3A_782 = arith.subi %sign3A_778, %sign3A_781 : i32
      %ne3A_783 = arith.cmpi ne, %sign3A_775, %sign3A_782 : i32
      %rem3A_784 = arith.remsi %add3A_717, %jit3A_767 : i32
      %ne3A_785 = arith.constant 0 : i32
      %ne3A_786 = arith.cmpi ne, %rem3A_784, %ne3A_785 : i32
      %and3A_787 = arith.andi %ne3A_783, %ne3A_786 : i1
      %sub3A_788 = arith.constant 1 : i32
      %sub3A_789 = arith.subi %div3A_768, %sub3A_788 : i32
      %select_n3A_790 = arith.select %and3A_787, %sub3A_789, %div3A_768 : i32
      %mul3A_791 = arith.constant 200 : i32
      %mul3A_792 = arith.muli %select_n3A_790, %mul3A_791 : i32
      %add3A_793 = arith.addi %mul3A_4, %mul3A_792 : i32
      %add3A_794 = arith.constant 128 : i32
      %add3A_795 = arith.addi %add3A_793, %add3A_794 : i32
      %dma_start3A_796 = arith.constant 0 : i32
      %dma_start3A_797 = tpu.memref_slice %arg4[%add3A_795, %dma_start3A_796] : memref<204800x128xf32, #tpu.memory_space<hbm>> -> memref<72x128xf32, #tpu.memory_space<hbm>>
      %dma_start3A_798 = arith.constant 0 : i32
      %dma_start3A_799 = tpu.memref_slice %arg4[%add3A_795, %dma_start3A_798] : memref<204800x128xf32, #tpu.memory_space<hbm>> -> memref<72x128xf32, #tpu.memory_space<hbm>>
      tpu.enqueue_dma source(%arg14 : memref<72x128xf32, #tpu.memory_space<vmem>>) target(%dma_start3A_799 : memref<72x128xf32, #tpu.memory_space<hbm>>) target_semaphore(%arg30 : memref<!tpu.dma_semaphore, #tpu.memory_space<semaphore_mem>>)
    }
    %scan3A_55 = arith.constant 8 : i32
    %add3A_56 = arith.constant 5600 : i32
    %add3A_57 = arith.addi %mul3A_4, %add3A_56 : i32
    %add3A_58 = arith.constant 0 : i32
    %add3A_59 = arith.addi %add3A_57, %add3A_58 : i32
    %dma_wait3A = arith.constant 0 : i32
    %dma_wait3A_60 = tpu.memref_slice %arg4[%add3A_59, %dma_wait3A] : memref<204800x128xf32, #tpu.memory_space<hbm>> -> memref<128x128xf32, #tpu.memory_space<hbm>>
    %dma_wait3A_61 = arith.constant 0 : i32
    %dma_wait3A_62 = tpu.memref_slice %arg4[%add3A_59, %dma_wait3A_61] : memref<204800x128xf32, #tpu.memory_space<hbm>> -> memref<128x128xf32, #tpu.memory_space<hbm>>
    tpu.wait_dma2 semaphore(%arg23 : memref<!tpu.dma_semaphore, #tpu.memory_space<semaphore_mem>>) src(%arg7 : memref<128x128xf32, #tpu.memory_space<vmem>>) dst(%dma_wait3A_62 : memref<128x128xf32, #tpu.memory_space<hbm>>)
    %add3A_63 = arith.constant 5600 : i32
    %add3A_64 = arith.addi %mul3A_4, %add3A_63 : i32
    %add3A_65 = arith.constant 128 : i32
    %add3A_66 = arith.addi %add3A_64, %add3A_65 : i32
    %dma_wait3A_67 = arith.constant 0 : i32
    %dma_wait3A_68 = tpu.memref_slice %arg4[%add3A_66, %dma_wait3A_67] : memref<204800x128xf32, #tpu.memory_space<hbm>> -> memref<72x128xf32, #tpu.memory_space<hbm>>
    %dma_wait3A_69 = arith.constant 0 : i32
    %dma_wait3A_70 = tpu.memref_slice %arg4[%add3A_66, %dma_wait3A_69] : memref<204800x128xf32, #tpu.memory_space<hbm>> -> memref<72x128xf32, #tpu.memory_space<hbm>>
    tpu.wait_dma2 semaphore(%arg24 : memref<!tpu.dma_semaphore, #tpu.memory_space<semaphore_mem>>) src(%arg8 : memref<72x128xf32, #tpu.memory_space<vmem>>) dst(%dma_wait3A_70 : memref<72x128xf32, #tpu.memory_space<hbm>>)
    %add3A_71 = arith.constant 5800 : i32
    %add3A_72 = arith.addi %mul3A_4, %add3A_71 : i32
    %add3A_73 = arith.constant 0 : i32
    %add3A_74 = arith.addi %add3A_72, %add3A_73 : i32
    %dma_wait3A_75 = arith.constant 0 : i32
    %dma_wait3A_76 = tpu.memref_slice %arg4[%add3A_74, %dma_wait3A_75] : memref<204800x128xf32, #tpu.memory_space<hbm>> -> memref<128x128xf32, #tpu.memory_space<hbm>>
    %dma_wait3A_77 = arith.constant 0 : i32
    %dma_wait3A_78 = tpu.memref_slice %arg4[%add3A_74, %dma_wait3A_77] : memref<204800x128xf32, #tpu.memory_space<hbm>> -> memref<128x128xf32, #tpu.memory_space<hbm>>
    tpu.wait_dma2 semaphore(%arg25 : memref<!tpu.dma_semaphore, #tpu.memory_space<semaphore_mem>>) src(%arg9 : memref<128x128xf32, #tpu.memory_space<vmem>>) dst(%dma_wait3A_78 : memref<128x128xf32, #tpu.memory_space<hbm>>)
    %add3A_79 = arith.constant 5800 : i32
    %add3A_80 = arith.addi %mul3A_4, %add3A_79 : i32
    %add3A_81 = arith.constant 128 : i32
    %add3A_82 = arith.addi %add3A_80, %add3A_81 : i32
    %dma_wait3A_83 = arith.constant 0 : i32
    %dma_wait3A_84 = tpu.memref_slice %arg4[%add3A_82, %dma_wait3A_83] : memref<204800x128xf32, #tpu.memory_space<hbm>> -> memref<72x128xf32, #tpu.memory_space<hbm>>
    %dma_wait3A_85 = arith.constant 0 : i32
    %dma_wait3A_86 = tpu.memref_slice %arg4[%add3A_82, %dma_wait3A_85] : memref<204800x128xf32, #tpu.memory_space<hbm>> -> memref<72x128xf32, #tpu.memory_space<hbm>>
    tpu.wait_dma2 semaphore(%arg26 : memref<!tpu.dma_semaphore, #tpu.memory_space<semaphore_mem>>) src(%arg10 : memref<72x128xf32, #tpu.memory_space<vmem>>) dst(%dma_wait3A_86 : memref<72x128xf32, #tpu.memory_space<hbm>>)
    %add3A_87 = arith.constant 6000 : i32
    %add3A_88 = arith.addi %mul3A_4, %add3A_87 : i32
    %add3A_89 = arith.constant 0 : i32
    %add3A_90 = arith.addi %add3A_88, %add3A_89 : i32
    %dma_wait3A_91 = arith.constant 0 : i32
    %dma_wait3A_92 = tpu.memref_slice %arg4[%add3A_90, %dma_wait3A_91] : memref<204800x128xf32, #tpu.memory_space<hbm>> -> memref<128x128xf32, #tpu.memory_space<hbm>>
    %dma_wait3A_93 = arith.constant 0 : i32
    %dma_wait3A_94 = tpu.memref_slice %arg4[%add3A_90, %dma_wait3A_93] : memref<204800x128xf32, #tpu.memory_space<hbm>> -> memref<128x128xf32, #tpu.memory_space<hbm>>
    tpu.wait_dma2 semaphore(%arg27 : memref<!tpu.dma_semaphore, #tpu.memory_space<semaphore_mem>>) src(%arg11 : memref<128x128xf32, #tpu.memory_space<vmem>>) dst(%dma_wait3A_94 : memref<128x128xf32, #tpu.memory_space<hbm>>)
    %add3A_95 = arith.constant 6000 : i32
    %add3A_96 = arith.addi %mul3A_4, %add3A_95 : i32
    %add3A_97 = arith.constant 128 : i32
    %add3A_98 = arith.addi %add3A_96, %add3A_97 : i32
    %dma_wait3A_99 = arith.constant 0 : i32
    %dma_wait3A_100 = tpu.memref_slice %arg4[%add3A_98, %dma_wait3A_99] : memref<204800x128xf32, #tpu.memory_space<hbm>> -> memref<72x128xf32, #tpu.memory_space<hbm>>
    %dma_wait3A_101 = arith.constant 0 : i32
    %dma_wait3A_102 = tpu.memref_slice %arg4[%add3A_98, %dma_wait3A_101] : memref<204800x128xf32, #tpu.memory_space<hbm>> -> memref<72x128xf32, #tpu.memory_space<hbm>>
    tpu.wait_dma2 semaphore(%arg28 : memref<!tpu.dma_semaphore, #tpu.memory_space<semaphore_mem>>) src(%arg12 : memref<72x128xf32, #tpu.memory_space<vmem>>) dst(%dma_wait3A_102 : memref<72x128xf32, #tpu.memory_space<hbm>>)
    %add3A_103 = arith.constant 6200 : i32
    %add3A_104 = arith.addi %mul3A_4, %add3A_103 : i32
    %add3A_105 = arith.constant 0 : i32
    %add3A_106 = arith.addi %add3A_104, %add3A_105 : i32
    %dma_wait3A_107 = arith.constant 0 : i32
    %dma_wait3A_108 = tpu.memref_slice %arg4[%add3A_106, %dma_wait3A_107] : memref<204800x128xf32, #tpu.memory_space<hbm>> -> memref<128x128xf32, #tpu.memory_space<hbm>>
    %dma_wait3A_109 = arith.constant 0 : i32
    %dma_wait3A_110 = tpu.memref_slice %arg4[%add3A_106, %dma_wait3A_109] : memref<204800x128xf32, #tpu.memory_space<hbm>> -> memref<128x128xf32, #tpu.memory_space<hbm>>
    tpu.wait_dma2 semaphore(%arg29 : memref<!tpu.dma_semaphore, #tpu.memory_space<semaphore_mem>>) src(%arg13 : memref<128x128xf32, #tpu.memory_space<vmem>>) dst(%dma_wait3A_110 : memref<128x128xf32, #tpu.memory_space<hbm>>)
    %add3A_111 = arith.constant 6200 : i32
    %add3A_112 = arith.addi %mul3A_4, %add3A_111 : i32
    %add3A_113 = arith.constant 128 : i32
    %add3A_114 = arith.addi %add3A_112, %add3A_113 : i32
    %dma_wait3A_115 = arith.constant 0 : i32
    %dma_wait3A_116 = tpu.memref_slice %arg4[%add3A_114, %dma_wait3A_115] : memref<204800x128xf32, #tpu.memory_space<hbm>> -> memref<72x128xf32, #tpu.memory_space<hbm>>
    %dma_wait3A_117 = arith.constant 0 : i32
    %dma_wait3A_118 = tpu.memref_slice %arg4[%add3A_114, %dma_wait3A_117] : memref<204800x128xf32, #tpu.memory_space<hbm>> -> memref<72x128xf32, #tpu.memory_space<hbm>>
    tpu.wait_dma2 semaphore(%arg30 : memref<!tpu.dma_semaphore, #tpu.memory_space<semaphore_mem>>) src(%arg14 : memref<72x128xf32, #tpu.memory_space<vmem>>) dst(%dma_wait3A_118 : memref<72x128xf32, #tpu.memory_space<hbm>>)
    return
  }
}

module attributes {stable_mosaic.version = 14 : i64} {
  func.func @mask_kernel(%arg0: memref<1024x1xi32, #tpu.memory_space<vmem>>, %arg1: memref<1024x200xf32, #tpu.memory_space<vmem>>) attributes {dimension_semantics = [], scalar_prefetch = 0 : i64, scratch_operands = 0 : i64, tpu.core_type = #tpu.core_type<tc>} {
    %iota3A = tpu.iota {dimensions = array<i32: 1>} : vector<1024x200xi32>
    %get3A = arith.constant 0 : index
    %get3A_0 = arith.constant 0 : index
    %get3A_1 = vector.load %arg0[%get3A, %get3A_0] : memref<1024x1xi32, #tpu.memory_space<vmem>>, vector<1024x1xi32>
    %lt3A = vector.broadcast %get3A_1 : vector<1024x1xi32> to vector<1024x200xi32>
    %lt3A_2 = arith.cmpi slt, %iota3A, %lt3A : vector<1024x200xi32>
    %convert_element_type3A = arith.extui %lt3A_2 : vector<1024x200xi1> to vector<1024x200xi32>
    %convert_element_type3A_3 = arith.sitofp %convert_element_type3A : vector<1024x200xi32> to vector<1024x200xf32>
    %swap3A = arith.constant 0 : index
    %swap3A_4 = arith.constant 0 : index
    %swap3A_5 = vector.load %arg1[%swap3A, %swap3A_4] : memref<1024x200xf32, #tpu.memory_space<vmem>>, vector<1024x200xf32>
    tpu.vector_store %arg1[%swap3A, %swap3A_4], %convert_element_type3A_3 {strides = array<i32>} : memref<1024x200xf32, #tpu.memory_space<vmem>>, vector<1024x200xf32>,
    return
  }
}

</mosaic_0001>

<sc_bundles>
// kernel: kernel.4.cloned.1.call-start
scs
__scs_entry_jumppad:
0x0: {  	(pc) =	sbr.rel $0x88, $3  }
0x1: {  	(tag) =	ssettag $0x0;
	lr =	simm.s32 $0x1  }
0x2: {  	[smem:$0x3F9E] =	sst lr;
	_ =	strace $0xD0000000  }
0x3: {  	_ = 	snop  }
0x4: {  	_ = 	snop  }
0x5: {  	_ = 	snop  }
0x6: {  	_ = 	snop  }
0x7: {  	_ = 	snop  }
__scs_overlays_trampoline_lowered:
0x8: {  	[smem:$0x3FAD] =	sst s0  }
0x9: {  	[smem:$0x3FAE] =	sst s1  }
0xa: {  	[smem:$0x3FAF] =	sst s2  }
0xb: {  	[smem:$0x3FB0] =	sst s3  }
0xc: {  	[smem:$0x3FB1] =	sst s4  }
0xd: {  	[smem:$0x3FB2] =	sst s5  }
0xe: {  	[smem:$0x3FB3] =	sst s6  }
0xf: {  	[smem:$0x3FB4] =	sst s7  }
0x10: {  	[smem:$0x3FB5] =	sst s8  }
0x11: {  	[smem:$0x3FB6] =	sst s9;
	s0 =	simm.s32 @!p0 $0x0  }
0x12: {  	s1 =	sld [smem:$0x3F9C];
	s0 =	simm.s32 @p0 $0x1  }
0x13: {  	[smem:$0x3FB7] =	sst s0;
	s0 =	simm.s32 @!p1 $0x0  }
0x14: {  	s2 =	sld [smem:$0x3F9B];
	s0 =	simm.s32 @p1 $0x1  }
0x15: {  	[smem:$0x3FB8] =	sst s0;
	s0 =	simm.s32 @!p2 $0x0  }
0x16: {  	s3 =	sld [smem:$0x3FDB];
	s0 =	simm.s32 @p2 $0x1  }
0x17: {  	s4 =	simm.s32 $0x1BF5;
	[smem:$0x3FBA] =	sst s0  }
0x18: {  	s0 =	sld [smem:$0x3F9D];
	_ =	swait.ge [sflag:s4], $0x0  }
0x19: {  	s7 =	sld [smem:$0x3F9E]  }
0x1a: {  	s8 =	sadd.s32 $0xFFFFE003, lr  }
0x1b: {  	s9 =	sadd.s32 $0xFFFFFEF7, lr;
	s5 =	simm.s32 $0xFFFFFFFF;
	p2 =	slt.u32 s8, $0xFFFFF086  }
0x1c: {  	p1 =	slt.u32 s9, $0xF7A;
	s5 =	simm.s32 @!p2 $0x0  }
0x1d: {  	s5 =	simm.s32 @p1 $0x1;
	p0 =	seq.s32 s7, s2  }
0x1e: {  	s7 =	smul.u32 @!p0 $0xF7A, s2;
	p2 =	seq.s32 @!p0 s5, $0x0  }
0x1f: {  	s9 =	smul.u32 $0xF7A, s1;
	s8 =	simm.s32 @!p0 $0x1BF5;
	p2 =	por !p2, p0  }
0x20: {  	[sflag:s8] =	ssyncset.s32 @!p0 $0xFFFFF086;
	s6 =	sadd.s32 @!p0 s3, s7;
	s7 =	simm.s32 @!p0 $0x108  }
0x21: {  	s3 =	sadd.s32 s3, s9;
	s6 =	sadd.s32 @!p0 $0x88, s6;
	s7 =	simm.s32 @p2 $0x1082  }
0x22: {  	[simem:s7], [sflag:s8] =	dma.local @!p0 [hbm:s6], $0xF7A  }
0x23: {  	s9 =	sor.u32 $0xD0000000, s2;
	s6 =	simm.s32 $0x108;
	_ =	swait.ge @!p0 [sflag:s8], $0x0  }
0x24: {  	s3 =	sadd.s32 $0x88, s3;
	s6 =	simm.s32 @!p1 $0x1082;
	[sflag:s4] =	ssyncset.s32 $0xFFFFF086  }
0x25: {  	[simem:s6], [sflag:s4] =	dma.local [hbm:s3], $0xF7A  }
0x26: {  	[smem:$0x3F9E] =	sst s1;
	(tag) =	ssettag s2;
	_ =	strace s9  }
0x27: {  	s1 =	sld [smem:$0x3FAE]  }
0x28: {  	s2 =	sld [smem:$0x3FAF]  }
0x29: {  	s4 =	sld [smem:$0x3FB1]  }
0x2a: {  	p0 =	seq.s32 s5, $0x0;
	s5 =	sld [smem:$0x3FB2]  }
0x2b: {  	s6 =	sld [smem:$0x3FB3]  }
0x2c: {  	s7 =	sld [smem:$0x3FB4]  }
0x2d: {  	s3 =	simm.s32 $0x108;
	s8 =	sld [smem:$0x3FB5]  }
0x2e: {  	s3 =	simm.s32 @!p0 $0x1082;
	s9 =	sld [smem:$0x3FB6]  }
0x2f: {  	lr =	sadd.s32 s0, s3;
	s0 =	sld [smem:$0x3FAD]  }
0x30: {  	s3 =	sld [smem:$0x3FB0]  }
0x31: {  	[smem:$0x3FB9] =	sst s10  }
0x32: {  	s10 =	sld [smem:$0x3FB7];
	_ =	sdelay $0x3  }
0x33: {  	p0 =	seq.s32 s10, $0x1;
	s10 =	sld [smem:$0x3FB9];
	_ =	sdelay $0x3  }
0x34: {  	[smem:$0x3FB9] =	sst s10  }
0x35: {  	s10 =	sld [smem:$0x3FB8];
	_ =	sdelay $0x3  }
0x36: {  	p1 =	seq.s32 s10, $0x1;
	s10 =	sld [smem:$0x3FB9];
	_ =	sdelay $0x3  }
0x37: {  	[smem:$0x3FB9] =	sst s10  }
0x38: {  	s10 =	sld [smem:$0x3FBA]  }
0x39: {  	_ = 	snop;
	(pc) =	sbr.ind lr, $3  }
0x3a: {  	_ = 	snop  }
0x3b: {  	_ = 	snop  }
0x3c: {  	p2 =	seq.s32 s10, $0x1;
	s10 =	sld [smem:$0x3FB9]  }
0x3d: {  	_ =	shalt  }
0x3e: {  	_ =	shalt  }
0x3f: {  	_ =	shalt  }
0x40: {  	_ =	shalt  }
0x41: {  	_ =	shalt  }
0x42: {  	_ =	shalt  }
0x43: {  	_ =	shalt  }
0x44: {  	_ =	shalt  }
0x45: {  	_ =	shalt  }
0x46: {  	_ =	shalt  }
0x47: {  	_ =	shalt  }
0x48: {  	_ =	shalt  }
0x49: {  	_ =	shalt  }
0x4a: {  	_ =	shalt  }
0x4b: {  	_ =	shalt  }
0x4c: {  	_ =	shalt  }
0x4d: {  	_ =	shalt  }
0x4e: {  	_ =	shalt  }
0x4f: {  	_ =	shalt  }
0x50: {  	_ =	shalt  }
0x51: {  	_ =	shalt  }
0x52: {  	_ =	shalt  }
0x53: {  	_ =	shalt  }
0x54: {  	_ =	shalt  }
0x55: {  	_ =	shalt  }
0x56: {  	_ =	shalt  }
0x57: {  	_ =	shalt  }
0x58: {  	_ =	shalt  }
0x59: {  	_ =	shalt  }
0x5a: {  	_ =	shalt  }
0x5b: {  	_ =	shalt  }
0x5c: {  	_ =	shalt  }
0x5d: {  	_ =	shalt  }
0x5e: {  	_ =	shalt  }
0x5f: {  	_ =	shalt  }
0x60: {  	_ =	shalt  }
0x61: {  	_ =	shalt  }
0x62: {  	_ =	shalt  }
0x63: {  	_ =	shalt  }
0x64: {  	_ =	shalt  }
0x65: {  	_ =	shalt  }
0x66: {  	_ =	shalt  }
0x67: {  	_ =	shalt  }
0x68: {  	_ =	shalt  }
0x69: {  	_ =	shalt  }
0x6a: {  	_ =	shalt  }
0x6b: {  	_ =	shalt  }
0x6c: {  	_ =	shalt  }
0x6d: {  	_ =	shalt  }
0x6e: {  	_ =	shalt  }
0x6f: {  	_ =	shalt  }
0x70: {  	_ =	shalt  }
0x71: {  	_ =	shalt  }
0x72: {  	_ =	shalt  }
0x73: {  	_ =	shalt  }
0x74: {  	_ =	shalt  }
0x75: {  	_ =	shalt  }
0x76: {  	_ =	shalt  }
0x77: {  	_ =	shalt  }
0x78: {  	_ =	shalt  }
0x79: {  	_ =	shalt  }
0x7a: {  	_ =	shalt  }
0x7b: {  	_ =	shalt  }
0x7c: {  	_ =	shalt  }
0x7d: {  	_ =	shalt  }
0x7e: {  	_ =	shalt  }
0x7f: {  	_ =	shalt  }
0x80: {  	_ =	shalt  }
0x81: {  	_ =	shalt  }
0x82: {  	_ =	shalt  }
0x83: {  	_ =	shalt  }
0x84: {  	_ =	shalt  }
0x85: {  	_ =	shalt  }
0x86: {  	_ =	shalt  }
0x87: {  	_ =	shalt  }
.Lfunc_end0:
.L_simem_size_0:
called_computation_lowered:
.L_overlay_start_0:
0x88: {  	s2 =	sld [smem:$0x3FD9]  }
0x89: {  	s3 =	sld [smem:$0x3FFE];
	_ =	sdelay $0x1  }
0x8a: {  	s1 =	srdreg.scid  }
0x8b: {  	s0 =	sand.u32 $0x1, s1  }
0x8c: {  	s14 =	sshll.u32 s0, $0xA;
	s2 =	sadd.s32 s3, s2  }
0x8d: {  	s2 =	sadd.s32 s2, s14  }
0x8e: {  	[smem:$0x3FC5] =	sst s2  }
0x8f: {  	_ = 	snop  }
0x90: {  	s2 =	sld [smem:$0x3FD0];
	_ =	sdelay $0x2  }
0x91: {  	s4 =	simm.s32 $0xA;
	s5 =	simm.s32 $0x10;
	s15 =	sld [smem:$0x3FC7]  }
0x92: {  	[smem:s5], [sflag:s4] =	dma.local [hbm:s2], $0x1  }
0x93: {  	_ =	swait.eq [sflag:s4], $0x1  }
0x94: {  	[sflag:s4] =	ssyncset.done $0x0  }
0x95: {  	[sflag:s4] =	ssyncadd.s32 $0xFFFFFFFF  }
0x96: {  	s16 =	sld [smem:$0x11];
	(tm) =	ssettm $0x1  }
0x97: {  	s17 =	sld [smem:$0x3FFB];
	_ =	sdelay $0x3  }
0x98: {  	_ =	strace s17  }
0x99: {  	s4 =	sld [smem:$0x3FFC];
	_ =	sdelay $0x3  }
0x9a: {  	_ =	strace s4  }
0x9b: {  	s4 =	sld [smem:$0x3FFD];
	_ =	sdelay $0x3  }
0x9c: {  	_ =	strace s4  }
0x9d: {  	_ =	strace $0x8FFFFFFF  }
0x9e: {  	s18 =	sld [smem:$0x3FDB];
	_ =	sdelay $0x1  }
0x9f: {  	s19 =	simm.s32 $_scs_section_size  }
0xa0: {  	s6 =	simm.s32 $_size__tile_overlayer_lowered;
	s7 =	simm.s32 $_tile_overlayer_lowered  }
0xa1: {  	s22 =	simm.s32 $0x1BFF;
	s21 =	sshll.u32 s7, $0x1;
	s4 =	sadd.s32 s19, s18  }
0xa2: {  	s8 =	simm.s32 $0x0;
	s20 =	sshll.u32 s6, $0x1;
	s6 =	sadd.s32 s21, s4  }
0xa3: {  	[timem:s8], [sflag:s22] =	dma.local [hbm:s6], s20  }
0xa4: {  	_ =	swait.ge [sflag:s22], s20  }
0xa5: {  	s5 =	ssub.s32 $0x0, s20;
	[sflag:s22] =	ssyncset.done $0x0  }
0xa6: {  	[sflag:s22] =	ssyncadd.s32 s5;
	_ =	sdelay $0x1  }
0xa7: {  	s23 =	simm.s32 $0x1B8B  }
0xa8: {  	_ =	swait.ge [sflag:s23], $0x1  }
0xa9: {  	[sflag:s23] =	ssyncset.done $0x0  }
0xaa: {  	s25 =	simm.s32 $0x1B8E;
	s24 =	sld [smem:$0x3FFE];
	[sflag:s23] =	ssyncadd.s32 $0xFFFFFFFF  }
0xab: {  	s26 =	simm.s32 $execute0_lowered;
	[smem:$0x3FD2] =	sst s25  }
0xac: {  	s6 =	sshll.u32 s26, $0x1;
	_ =	strace $0x80000046;
	[dreg:$0x1] =	wrdreg $0xFFFFFFFF  }
0xad: {  	s28 =	simm.s32 $_size_execute0_lowered;
	s4 =	sadd.s32 s4, s6;
	[dreg:$0x0] =	wrdreg $0x0  }
0xae: {  	s6 =	sshll.u32 s28, $0x1;
	[dreg:$0x2] =	wrdreg s4  }
0xaf: {  	[dreg:$0x3] =	wrdreg s6  }
0xb0: {  	[dreg:$0x4] =	wrdreg $0xC0  }
0xb1: {  	_ =	task [dreg:s8], $0x5FFFF  }
0xb2: {  	[dreg:$0x1] =	wrdreg $0xFFFFFFFF  }
0xb3: {  	[dreg:$0x0] =	wrdreg $0x60  }
0xb4: {  	[dreg:$0x2] =	wrdreg s24  }
0xb5: {  	[dreg:$0x3] =	wrdreg s15  }
0xb6: {  	[dreg:$0x4] =	wrdreg s16  }
0xb7: {  	[dreg:$0x5] =	wrdreg $0x20000  }
0xb8: {  	[dreg:$0x6] =	wrdreg $0x9  }
0xb9: {  	_ =	task.clear_ibuf [dreg:s8], $0x7FFFF;
	_ =	strace $0x90000046  }
0xba: {  	s29 =	simm.s32 $0x9;
	_ =	strace $0x80000048  }
0xbb: {  	_ =	swait.ge [sflag:s29], $0x1  }
0xbc: {  	[sflag:s29] =	ssyncadd.s32 $0xFFFFFFFF  }
0xbd: {  	_ =	strace $0x90000048  }
0xbe: {  	_ =	sfence  }
0xbf: {  	s30 =	sld [smem:$0x0];
	_ =	sdelay $0x2  }
0xc0: {  	s31 =	sshll.u32 s1, $0xD;
	s1 =	sshrl.u32 s1, $0x2  }
0xc1: {  	s3 =	sand.u32 $0x4000, s31;
	s1 =	sadd.s32 s1, s30  }
0xc2: {  	s0 =	sor.u32 s3, s0;
	s1 =	sshll.u32 s1, $0x11  }
0xc3: {  	s0 =	sor.u32 s1, s0  }
0xc4: {  	s0 =	sadd.s32 $0x8F2B, s0  }
0xc5: {  	[sflag:s0] =	ssyncadd.remote.s32 $0x1  }
0xc6: {  	_ =	sfence.sel $0xFFFF  }
0xc7: {  	[dreg:$0x0] =	wrdreg $0xFFFFFFFF;
	(pc) =	sbr.abs _section_cstart, $3  }
0xc8: {  	[dreg:$0x1] =	wrdreg $0xFFFFFFFF  }
0xc9: {  	_ =	task.clear_ibuf [dreg:s8], $0x2FFFF;
	_ =	strace $0x9FFFFFFF  }
0xca: {  	(tm) =	ssettm $0x7FFFFFFF  }
0xcb: {  	_ =	shalt  }
tec
execute0_lowered:
.L_overlay_start_1:
0x0: {  	(tag) =	ssettag $0x1  }
0x1: {  	s0 =	rddreg [dreg:$0x0]  }
0x2: {  	s1 =	rddreg [dreg:$0x2]  }
0x3: {  	s2 =	rddreg [dreg:$0x3]  }
0x4: {  	s3 =	simm.s32 $0x0;
	s4 =	srdreg.scid;
	s9 =	stileid.u32  }
0x5: {  	s10 =	simm.s32 $0x80;
	s12 =	simm.s32 $0x48;
	s18 =	simm.s32 $0x12680  }
0x6: {  	s19 =	simm.s32 $0x1;
	s20 =	simm.s32 $0x16680;
	s21 =	simm.s32 $0x2  }
0x7: {  	s22 =	simm.s32 $0x18A80;
	s28 =	simm.s32 $0x6;
	s29 =	simm.s32 $0x7  }
0x8: {  	s30 =	simm.s32 $0x8;
	s14 =	simm.s32 $0x5E80;
	s15 =	simm.s32 $0x9E80  }
0x9: {  	s17 =	simm.s32 $0xC280;
	[smem:$0x7FF] =	sst s3;
	s4 =	sand.u32 $0x1, s4  }
0xa: {  	s5 =	sshll.u32 s9, $0xB;
	s7 =	smul.u32 $0x7D000, s9;
	s25 =	sand.u32 $0x1, s9  }
0xb: {  	s8 =	smul.u32 $0x32000, s9;
	s6 =	sshll.u32 s4, $0xA;
	_ =	strace $0x80000047  }
0xc: {  	s23 =	ssub.s32 $0x2, s4;
	p0 =	seq.s32 s25, $0x1;
	s26 =	smul.u32 $0x19000, s4  }
0xd: {  	s25 =	simm.s32 $0x4;
	s5 =	sor.u32 s6, s5;
	s24 =	sshrl.u32 s23, $0x1  }
0xe: {  	s7 =	sshrl.u32 s7, $0x2;
	s1 =	sadd.s32 s8, s1;
	s0 =	sadd.s32 s5, s0  }
0xf: {  	s6 =	ssub.s32 s23, s24;
	s7 =	sadd.s32 s7, s2;
	s5 =	simm.s32 $0x1F400  }
0x10: {  	s23 =	simm.s32 $0x3;
	s0 =	sadd.s32 $0x600, s0;
	s5 =	simm.s32 @!p0 $0x0  }
0x11: {  	p0 =	sgt.u32 s9, $0x1;
	s31 =	smax.u32 s6, $0x1;
	[dreg:$0x6] =	wrdreg s0  }
0x12: {  	[dreg:$0x7] =	wrdreg s31;
	s0 =	sadd.s32 s26, s1;
	s1 =	sshll.u32 @!p0 s9, $0x6  }
0x13: {  	s24 =	simm.s32 $0x1CA80;
	[dreg:$0x5] =	wrdreg s0;
	s0 =	sor.u32 @!p0 $0x1C11, s1  }
0x14: {  	s5 =	sadd.s32 s5, s2;
	[dreg:$0x8] =	wrdreg s0;
	s0 =	sshrl.u32 @!p0 s7, $0x3  }
0x15: {  	s26 =	simm.s32 $0x5;
	s2 =	simm.s32 $0x0;
	[dreg:$0x9] =	wrdreg s0  }
.LBB2_1:
0x16: {  	[dreg:$0xa] =	wrdreg s2  }
0x17: {  	s0 =	rddreg [dreg:$0x1]  }
0x18: {  	s1 =	rddreg [dreg:$0x8]  }
0x19: {  	s2 =	rddreg [dreg:$0x9]  }
0x1a: {  	[spmem:s2], [sflag:s1] =	dma.local @!p0 [hbm:s0], $0x3E80  }
0x1b: {  	s0 =	simm.s32 @!p0 $0x11  }
0x1c: {  	_ =	swait.ge @!p0 [sflag:s0], $0x3E80  }
0x1d: {  	[sflag:s0] =	ssyncset.done @!p0 $0x0  }
0x1e: {  	s9 =	simm.s32 $0x11;
	s8 =	rddreg [dreg:$0x6];
	[sflag:s0] =	ssyncadd.s32 @!p0 $0xFFFFC180  }
0x1f: {  	[tilespmem:s3], [sflag:$0x11] =	stream.linear.gather [hbm4b:s8+s3], $0x2000, $0x38;
	[tilespmem:$0x1EE80] =	vst v63  }
0x20: {  	_ =	swait.ge [sflag:s9], $0x2000  }
0x21: {  	[sflag:s9] =	ssyncset.done $0x0  }
0x22: {  	[sflag:s9] =	ssyncadd.s32 $0xFFFFE000  }
0x23: {  	s7 =	simm.s32 $0x5E80;
	[bflag:$0x0] =	sbarrier.arrive $0xFFFF  }
0x24: {  	[tilespmem:s7], [sflag:$0x1] =	stream.indirect.gather [spmem:s5], $0x80, s3, s10, $0xb8;
	[tilespmem:$0x1EE80] =	vst v63  }
0x25: {  	s11 =	simm.s32 $0x400;
	s8 =	simm.s32 $0x9E80  }
0x26: {  	[tilespmem:s8], [sflag:$0x2] =	stream.indirect.gather [spmem:s5], $0x80, s11, s12, $0xb8;
	[tilespmem:$0x1EE80] =	vst v63  }
0x27: {  	p1 =	por $0x1, $0x1;
	s9 =	simm.s32 $0xC280  }
0x28: {  	[tilespmem:s9], [sflag:$0x3] =	stream.indirect.gather [spmem:s5], $0x80, s10, s10, $0xb8;
	[tilespmem:$0x1EE80] =	vst v63  }
0x29: {  	s13 =	simm.s32 $0x480;
	s0 =	simm.s32 @!p1 $0xD;
	s11 =	simm.s32 $0x10280  }
0x2a: {  	[tilespmem:s11], [sflag:$0x4] =	stream.indirect.gather [spmem:s5], $0x80, s13, s12, $0xb8;
	[tilespmem:$0x1EE80] =	vst v63  }
0x2b: {  	s16 =	simm.s32 $0x100;
	_ =	swait.ge @!p1 [sflag:s0], $0x4000  }
0x2c: {  	s2 =	sand.u32 $0x1800, s3;
	s4 =	sand.u32 $0x300, s16;
	[sflag:s0] =	ssyncset.done @!p1 $0x0  }
0x2d: {  	s1 =	sor.u32 s4, s2;
	[sflag:s0] =	ssyncadd.s32 @!p1 $0xFFFFC000  }
0x2e: {  	[tilespmem:s18], [sflag:$0x5] =	stream.indirect.gather [spmem:s5], $0x80, s1, s10, $0xb8;
	[tilespmem:$0x1EE80] =	vst v63  }
0x2f: {  	_ =	swait.ge [sflag:s19], $0x4000  }
0x30: {  	s1 =	rddreg [dreg:$0x5];
	[sflag:s19] =	ssyncset.done $0x0  }
0x31: {  	s6 =	simm.s32 @!p1 $0xE;
	[sflag:s19] =	ssyncadd.s32 $0xFFFFC000;
	s1 =	sadd.s32 $0x0, s1  }
0x32: {  	[hbm4b:s1+s3] =	stream.linear.scatter [tilespmem:s7], [sflag:$0x9], $0x4000, $0x38;
	[tilespmem:$0x1EE80] =	vst v63  }
0x33: {  	_ =	swait.ge @!p1 [sflag:s6], $0x2400  }
0x34: {  	s13 =	sadd.s32 s4, s2;
	[sflag:s6] =	ssyncset.done @!p1 $0x0  }
0x35: {  	s0 =	sadd.s32 $0x400, s13;
	[sflag:s6] =	ssyncadd.s32 @!p1 $0xFFFFDC00  }
0x36: {  	[tilespmem:s20], [sflag:$0x6] =	stream.indirect.gather [spmem:s5], $0x80, s0, s12, $0xb8;
	[tilespmem:$0x1EE80] =	vst v63  }
0x37: {  	_ =	swait.ge [sflag:s21], $0x2400  }
0x38: {  	[sflag:s21] =	ssyncset.done $0x0  }
0x39: {  	s4 =	simm.s32 @!p1 $0xF;
	s16 =	sadd.s32 $0x800, s1;
	[sflag:s21] =	ssyncadd.s32 $0xFFFFDC00  }
0x3a: {  	[hbm4b:s16+s3] =	stream.linear.scatter [tilespmem:s8], [sflag:$0xA], $0x2400, $0x38;
	[tilespmem:$0x1EE80] =	vst v63  }
0x3b: {  	s6 =	simm.s32 $0x180;
	_ =	swait.ge @!p1 [sflag:s4], $0x4000  }
0x3c: {  	s0 =	sand.u32 $0x380, s6;
	[sflag:s4] =	ssyncset.done @!p1 $0x0  }
0x3d: {  	s0 =	sadd.s32 s0, s2;
	[sflag:s4] =	ssyncadd.s32 @!p1 $0xFFFFC000  }
0x3e: {  	[tilespmem:s22], [sflag:$0x7] =	stream.indirect.gather [spmem:s5], $0x80, s0, s10, $0xb8;
	[tilespmem:$0x1EE80] =	vst v63  }
0x3f: {  	_ =	swait.ge [sflag:s23], $0x4000  }
0x40: {  	[sflag:s23] =	ssyncset.done $0x0  }
0x41: {  	s7 =	sadd.s32 $0xC80, s1;
	s4 =	simm.s32 @!p1 $0x10;
	[sflag:s23] =	ssyncadd.s32 $0xFFFFC000  }
0x42: {  	[hbm4b:s7+s3] =	stream.linear.scatter [tilespmem:s9], [sflag:$0xB], $0x4000, $0x38;
	[tilespmem:$0x1EE80] =	vst v63  }
0x43: {  	_ =	swait.ge @!p1 [sflag:s4], $0x2400  }
0x44: {  	[sflag:s4] =	ssyncset.done @!p1 $0x0  }
0x45: {  	s0 =	sadd.s32 $0x400, s0;
	[sflag:s4] =	ssyncadd.s32 @!p1 $0xFFFFDC00  }
0x46: {  	[tilespmem:s24], [sflag:$0x8] =	stream.indirect.gather [spmem:s5], $0x80, s0, s12, $0xb8;
	[tilespmem:$0x1EE80] =	vst v63  }
0x47: {  	_ =	swait.ge [sflag:s25], $0x2400  }
0x48: {  	s8 =	sadd.s32 $0x1480, s1;
	p1 =	por $0x0, $0x0;
	[sflag:s25] =	ssyncset.done $0x0  }
0x49: {  	s0 =	simm.s32 @!p1 $0x400;
	s4 =	simm.s32 @!p1 $0x9;
	[sflag:s25] =	ssyncadd.s32 $0xFFFFDC00  }
0x4a: {  	[hbm4b:s8+s3] =	stream.linear.scatter [tilespmem:s11], [sflag:$0xC], $0x2400, $0x38;
	[tilespmem:$0x1EE80] =	vst v63  }
0x4b: {  	s2 =	simm.s32 @!p1 $0x5E80;
	s6 =	simm.s32 @!p1 $0x200;
	_ =	swait.ge @!p1 [sflag:s4], $0x4000  }
0x4c: {  	s0 =	sand.u32 @!p1 $0x3800, s0;
	s6 =	sand.u32 @!p1 $0x200, s6;
	[sflag:s4] =	ssyncset.done @!p1 $0x0  }
0x4d: {  	s0 =	sor.u32 @!p1 s6, s0;
	[sflag:s4] =	ssyncadd.s32 @!p1 $0xFFFFC000;
	s4 =	simm.s32 @!p1 $0x80  }
0x4e: {  	[tilespmem:s2], [sflag:$0x1] =	stream.indirect.gather @!p1 [spmem:s5], $0x80, s0, s4, $0xb8;
	[tilespmem:$0x1EE80] =	vst v63  }
0x4f: {  	_ =	swait.ge [sflag:s26], $0x4000  }
0x50: {  	[sflag:s26] =	ssyncset.done $0x0  }
0x51: {  	s9 =	sadd.s32 $0x1900, s1;
	s6 =	simm.s32 @!p1 $0xA;
	[sflag:s26] =	ssyncadd.s32 $0xFFFFC000  }
0x52: {  	[hbm4b:s9+s3] =	stream.linear.scatter [tilespmem:s18], [sflag:$0xD], $0x4000, $0x38;
	[tilespmem:$0x1EE80] =	vst v63  }
0x53: {  	_ =	swait.ge @!p1 [sflag:s6], $0x2400  }
0x54: {  	s13 =	simm.s32 @!p1 $0x48;
	[sflag:s6] =	ssyncset.done @!p1 $0x0  }
0x55: {  	s0 =	sor.u32 @!p1 $0x400, s0;
	s2 =	simm.s32 @!p1 $0x9E80;
	[sflag:s6] =	ssyncadd.s32 @!p1 $0xFFFFDC00  }
0x56: {  	[tilespmem:s2], [sflag:$0x2] =	stream.indirect.gather @!p1 [spmem:s5], $0x80, s0, s13, $0xb8;
	[tilespmem:$0x1EE80] =	vst v63  }
0x57: {  	_ =	swait.ge [sflag:s28], $0x2400  }
0x58: {  	[sflag:s28] =	ssyncset.done $0x0  }
0x59: {  	s11 =	sadd.s32 $0x2100, s1;
	s2 =	simm.s32 @!p1 $0xB;
	[sflag:s28] =	ssyncadd.s32 $0xFFFFDC00  }
0x5a: {  	[hbm4b:s11+s3] =	stream.linear.scatter [tilespmem:s20], [sflag:$0xE], $0x2400, $0x38;
	[tilespmem:$0x1EE80] =	vst v63  }
0x5b: {  	s6 =	simm.s32 @!p1 $0x500;
	s0 =	simm.s32 $0x280;
	_ =	swait.ge @!p1 [sflag:s2], $0x4000  }
0x5c: {  	s6 =	sand.u32 @!p1 $0x3800, s6;
	s0 =	sand.u32 @!p1 $0x280, s0;
	[sflag:s2] =	ssyncset.done @!p1 $0x0  }
0x5d: {  	s6 =	sor.u32 @!p1 s0, s6;
	s0 =	simm.s32 @!p1 $0xC280;
	[sflag:s2] =	ssyncadd.s32 @!p1 $0xFFFFC000  }
0x5e: {  	[tilespmem:s0], [sflag:$0x3] =	stream.indirect.gather @!p1 [spmem:s5], $0x80, s6, s4, $0xb8;
	[tilespmem:$0x1EE80] =	vst v63  }
0x5f: {  	p3 =	por $0x0, $0x0;
	s31 =	simm.s32 $0x0;
	_ =	swait.ge [sflag:s29], $0x4000  }
0x60: {  	s16 =	sadd.s32 $0x2580, s1;
	s8 =	simm.s32 $0x480;
	[sflag:s29] =	ssyncset.done $0x0  }
0x61: {  	s9 =	simm.s32 $0x3200;
	s4 =	simm.s32 @!p1 $0xC;
	[sflag:s29] =	ssyncadd.s32 $0xFFFFC000  }
0x62: {  	[hbm4b:s16+s3] =	stream.linear.scatter [tilespmem:s22], [sflag:$0xF], $0x4000, $0x38;
	[tilespmem:$0x1EE80] =	vst v63  }
0x63: {  	s2 =	sadd.s32 $0x2D80, s1;
	s0 =	simm.s32 $0x6400;
	_ =	swait.ge @!p1 [sflag:s4], $0x2400  }
0x64: {  	s16 =	sor.u32 @!p1 $0x400, s6;
	s6 =	simm.s32 @!p1 $0x10280;
	[sflag:s4] =	ssyncset.done @!p1 $0x0  }
.LBB2_2:
0x65: {  	[sflag:s4] =	ssyncadd.s32 @!p1 $0xFFFFDC00  }
0x66: {  	[tilespmem:s6], [sflag:$0x4] =	stream.indirect.gather @!p1 [spmem:s5], $0x80, s16, s13, $0xb8;
	[tilespmem:$0x1EE80] =	vst v63  }
0x67: {  	_ =	swait.ge [sflag:s30], $0x2400  }
0x68: {  	[sflag:s30] =	ssyncset.done $0x0  }
0x69: {  	s4 =	simm.s32 @!p3 $0xD;
	[sflag:s30] =	ssyncadd.s32 $0xFFFFDC00  }
0x6a: {  	[hbm4b:s2+s3] =	stream.linear.scatter [tilespmem:s24], [sflag:$0x10], $0x2400, $0x38;
	[tilespmem:$0x1EE80] =	vst v63  }
0x6b: {  	s31 =	sadd.s32 $0x400, s31;
	s16 =	sadd.s32 $0xFFFFFE80, s8;
	_ =	swait.ge @!p3 [sflag:s4], $0x4000  }
0x6c: {  	s13 =	sand.u32 $0x1800, s31;
	s6 =	sand.u32 $0x300, s16;
	[sflag:s4] =	ssyncset.done @!p3 $0x0  }
0x6d: {  	s7 =	sor.u32 s6, s13;
	[sflag:s4] =	ssyncadd.s32 @!p3 $0xFFFFC000  }
0x6e: {  	[tilespmem:s18], [sflag:$0x5] =	stream.indirect.gather [spmem:s5], $0x80, s7, s10, $0xb8;
	[tilespmem:$0x1EE80] =	vst v63  }
0x6f: {  	_ =	swait.ge [sflag:s19], $0x4000  }
0x70: {  	s11 =	rddreg [dreg:$0x5];
	[sflag:s19] =	ssyncset.done $0x0  }
0x71: {  	s4 =	simm.s32 @!p3 $0xE;
	[sflag:s19] =	ssyncadd.s32 $0xFFFFC000;
	s2 =	sadd.s32 s9, s11  }
0x72: {  	[hbm4b:s2+s3] =	stream.linear.scatter [tilespmem:s14], [sflag:$0x9], $0x4000, $0x38;
	[tilespmem:$0x1EE80] =	vst v63  }
0x73: {  	_ =	swait.ge @!p3 [sflag:s4], $0x2400  }
0x74: {  	s6 =	sadd.s32 s6, s13;
	[sflag:s4] =	ssyncset.done @!p3 $0x0  }
0x75: {  	s6 =	sadd.s32 $0x400, s6;
	[sflag:s4] =	ssyncadd.s32 @!p3 $0xFFFFDC00  }
0x76: {  	[tilespmem:s20], [sflag:$0x6] =	stream.indirect.gather [spmem:s5], $0x80, s6, s12, $0xb8;
	[tilespmem:$0x1EE80] =	vst v63  }
0x77: {  	_ =	swait.ge [sflag:s21], $0x2400  }
0x78: {  	[sflag:s21] =	ssyncset.done $0x0  }
0x79: {  	s16 =	sadd.s32 $0x800, s2;
	s6 =	simm.s32 @!p3 $0xF;
	[sflag:s21] =	ssyncadd.s32 $0xFFFFDC00  }
0x7a: {  	[hbm4b:s16+s3] =	stream.linear.scatter [tilespmem:s15], [sflag:$0xA], $0x2400, $0x38;
	[tilespmem:$0x1EE80] =	vst v63  }
0x7b: {  	s7 =	sadd.s32 $0xFFFFFF00, s8;
	_ =	swait.ge @!p3 [sflag:s6], $0x4000  }
0x7c: {  	s11 =	sand.u32 $0x380, s7;
	[sflag:s6] =	ssyncset.done @!p3 $0x0  }
0x7d: {  	s4 =	sadd.s32 s11, s13;
	[sflag:s6] =	ssyncadd.s32 @!p3 $0xFFFFC000  }
0x7e: {  	[tilespmem:s22], [sflag:$0x7] =	stream.indirect.gather [spmem:s5], $0x80, s4, s10, $0xb8;
	[tilespmem:$0x1EE80] =	vst v63  }
0x7f: {  	_ =	swait.ge [sflag:s23], $0x4000  }
0x80: {  	[sflag:s23] =	ssyncset.done $0x0  }
0x81: {  	s13 =	simm.s32 @!p3 $0x10;
	s16 =	sadd.s32 $0xC80, s2;
	[sflag:s23] =	ssyncadd.s32 $0xFFFFC000  }
0x82: {  	[hbm4b:s16+s3] =	stream.linear.scatter [tilespmem:s17], [sflag:$0xB], $0x4000, $0x38;
	[tilespmem:$0x1EE80] =	vst v63  }
0x83: {  	_ =	swait.ge @!p3 [sflag:s13], $0x2400  }
0x84: {  	[sflag:s13] =	ssyncset.done @!p3 $0x0  }
0x85: {  	p1 =	seq.s32 s9, $0x15E00;
	s4 =	sadd.s32 $0x400, s4;
	[sflag:s13] =	ssyncadd.s32 @!p3 $0xFFFFDC00  }
0x86: {  	[tilespmem:s24], [sflag:$0x8] =	stream.indirect.gather [spmem:s5], $0x80, s4, s12, $0xb8;
	[tilespmem:$0x1EE80] =	vst v63  }
0x87: {  	s9 =	simm.s32 @!p1 $0x5E80;
	_ =	swait.ge [sflag:s25], $0x2400  }
0x88: {  	s7 =	sadd.s32 $0x1480, s2;
	s11 =	simm.s32 $0x10280;
	[sflag:s25] =	ssyncset.done $0x0  }
0x89: {  	s6 =	sadd.s32 @!p1 $0x400, s31;
	s16 =	simm.s32 @!p1 $0x9;
	[sflag:s25] =	ssyncadd.s32 $0xFFFFDC00  }
0x8a: {  	[hbm4b:s7+s3] =	stream.linear.scatter [tilespmem:s11], [sflag:$0xC], $0x2400, $0x38;
	[tilespmem:$0x1EE80] =	vst v63  }
0x8b: {  	s4 =	sand.u32 @!p1 $0x3800, s6;
	s6 =	sadd.s32 @!p1 $0xFFFFFF80, s8;
	_ =	swait.ge @!p1 [sflag:s16], $0x4000  }
0x8c: {  	s13 =	sadd.s32 @!p1 $0x500, s31;
	s6 =	sand.u32 @!p1 $0x200, s6;
	[sflag:s16] =	ssyncset.done @!p1 $0x0  }
0x8d: {  	s4 =	sor.u32 @!p1 s6, s4;
	s11 =	simm.s32 @!p1 $0x80;
	[sflag:s16] =	ssyncadd.s32 @!p1 $0xFFFFC000  }
0x8e: {  	[tilespmem:s9], [sflag:$0x1] =	stream.indirect.gather @!p1 [spmem:s5], $0x80, s4, s11, $0xb8;
	[tilespmem:$0x1EE80] =	vst v63  }
0x8f: {  	s13 =	sand.u32 @!p1 $0x3800, s13;
	s7 =	sand.u32 @!p1 $0x280, s8;
	_ =	swait.ge [sflag:s26], $0x4000  }
0x90: {  	s6 =	sor.u32 @!p1 $0x400, s4;
	s7 =	sor.u32 @!p1 s7, s13;
	[sflag:s26] =	ssyncset.done $0x0  }
0x91: {  	s13 =	sadd.s32 $0x1900, s2;
	s4 =	simm.s32 @!p1 $0xA;
	[sflag:s26] =	ssyncadd.s32 $0xFFFFC000  }
0x92: {  	[hbm4b:s13+s3] =	stream.linear.scatter [tilespmem:s18], [sflag:$0xD], $0x4000, $0x38;
	[tilespmem:$0x1EE80] =	vst v63  }
0x93: {  	s1 =	smov.u32 s0;
	_ =	swait.ge @!p1 [sflag:s4], $0x2400  }
0x94: {  	s9 =	smov.u32 s1;
	[sflag:s4] =	ssyncset.done @!p1 $0x0  }
0x95: {  	s1 =	simm.s32 @!p1 $0x9E80;
	s13 =	simm.s32 @!p1 $0x48;
	[sflag:s4] =	ssyncadd.s32 @!p1 $0xFFFFDC00  }
0x96: {  	[tilespmem:s1], [sflag:$0x2] =	stream.indirect.gather @!p1 [spmem:s5], $0x80, s6, s13, $0xb8;
	[tilespmem:$0x1EE80] =	vst v63  }
0x97: {  	_ =	swait.ge [sflag:s28], $0x2400  }
0x98: {  	[sflag:s28] =	ssyncset.done $0x0  }
0x99: {  	s4 =	simm.s32 @!p1 $0xB;
	s6 =	sadd.s32 $0x2100, s2;
	[sflag:s28] =	ssyncadd.s32 $0xFFFFDC00  }
0x9a: {  	[hbm4b:s6+s3] =	stream.linear.scatter [tilespmem:s20], [sflag:$0xE], $0x2400, $0x38;
	[tilespmem:$0x1EE80] =	vst v63  }
0x9b: {  	_ =	swait.ge @!p1 [sflag:s4], $0x4000  }
0x9c: {  	[sflag:s4] =	ssyncset.done @!p1 $0x0  }
0x9d: {  	s0 =	sadd.s32 $0x3200, s0;
	s1 =	simm.s32 @!p1 $0xC280;
	[sflag:s4] =	ssyncadd.s32 @!p1 $0xFFFFC000  }
0x9e: {  	[tilespmem:s1], [sflag:$0x3] =	stream.indirect.gather @!p1 [spmem:s5], $0x80, s7, s11, $0xb8;
	[tilespmem:$0x1EE80] =	vst v63  }
0x9f: {  	p2 =	sne.s32 s0, $0x19000;
	_ =	swait.ge [sflag:s29], $0x4000  }
.Ltmp0:
0xa0: {  	s8 =	sadd.s32 $0x200, s8;
	[sflag:s29] =	ssyncset.done $0x0;
	(pc) =	sbr.rel @p2 .LBB2_2-.Ltmp0, $4  }
0xa1: {  	s4 =	simm.s32 @!p1 $0xC;
	s11 =	sadd.s32 $0x2580, s2;
	[sflag:s29] =	ssyncadd.s32 $0xFFFFC000  }
0xa2: {  	[hbm4b:s11+s3] =	stream.linear.scatter [tilespmem:s22], [sflag:$0xF], $0x4000, $0x38;
	[tilespmem:$0x1EE80] =	vst v63  }
0xa3: {  	s16 =	sor.u32 @!p1 $0x400, s7;
	p3 =	seq.s32 s9, $0x0;
	_ =	swait.ge @!p1 [sflag:s4], $0x2400  }
0xa4: {  	s6 =	simm.s32 @!p1 $0x10280;
	s2 =	sadd.s32 $0x2D80, s2;
	[sflag:s4] =	ssyncset.done @!p1 $0x0  }
0xa5: {  	[sflag:s4] =	ssyncadd.s32 @!p1 $0xFFFFDC00  }
0xa6: {  	[tilespmem:s6], [sflag:$0x4] =	stream.indirect.gather @!p1 [spmem:s5], $0x80, s16, s13, $0xb8;
	[tilespmem:$0x1EE80] =	vst v63  }
0xa7: {  	_ =	swait.ge [sflag:s30], $0x2400  }
0xa8: {  	[sflag:s30] =	ssyncset.done $0x0  }
0xa9: {  	s0 =	simm.s32 @!p3 $0xD;
	[sflag:s30] =	ssyncadd.s32 $0xFFFFDC00  }
0xaa: {  	[hbm4b:s2+s3] =	stream.linear.scatter [tilespmem:s24], [sflag:$0x10], $0x2400, $0x38;
	[tilespmem:$0x1EE80] =	vst v63  }
0xab: {  	s1 =	sadd.s32 $0x400, s31;
	s6 =	sadd.s32 $0xFFFFFE80, s8;
	_ =	swait.ge @!p3 [sflag:s0], $0x4000  }
0xac: {  	s7 =	sand.u32 $0x1800, s1;
	s2 =	sand.u32 $0x300, s6;
	[sflag:s0] =	ssyncset.done @!p3 $0x0  }
0xad: {  	s11 =	sor.u32 s2, s7;
	[sflag:s0] =	ssyncadd.s32 @!p3 $0xFFFFC000  }
0xae: {  	[tilespmem:s18], [sflag:$0x5] =	stream.indirect.gather [spmem:s5], $0x80, s11, s10, $0xb8;
	[tilespmem:$0x1EE80] =	vst v63  }
0xaf: {  	_ =	swait.ge [sflag:s19], $0x4000  }
0xb0: {  	s13 =	rddreg [dreg:$0x5];
	[sflag:s19] =	ssyncset.done $0x0  }
0xb1: {  	s6 =	simm.s32 @!p3 $0xE;
	[sflag:s19] =	ssyncadd.s32 $0xFFFFC000;
	s0 =	sadd.s32 s9, s13  }
0xb2: {  	[hbm4b:s0+s3] =	stream.linear.scatter [tilespmem:s14], [sflag:$0x9], $0x4000, $0x38;
	[tilespmem:$0x1EE80] =	vst v63  }
0xb3: {  	_ =	swait.ge @!p3 [sflag:s6], $0x2400  }
0xb4: {  	s2 =	sadd.s32 s2, s7;
	[sflag:s6] =	ssyncset.done @!p3 $0x0  }
0xb5: {  	s2 =	sadd.s32 $0x400, s2;
	[sflag:s6] =	ssyncadd.s32 @!p3 $0xFFFFDC00  }
0xb6: {  	[tilespmem:s20], [sflag:$0x6] =	stream.indirect.gather [spmem:s5], $0x80, s2, s12, $0xb8;
	[tilespmem:$0x1EE80] =	vst v63  }
0xb7: {  	_ =	swait.ge [sflag:s21], $0x2400  }
0xb8: {  	[sflag:s21] =	ssyncset.done $0x0  }
0xb9: {  	s16 =	sadd.s32 $0x800, s0;
	s6 =	simm.s32 @!p3 $0xF;
	[sflag:s21] =	ssyncadd.s32 $0xFFFFDC00  }
0xba: {  	[hbm4b:s16+s3] =	stream.linear.scatter [tilespmem:s15], [sflag:$0xA], $0x2400, $0x38;
	[tilespmem:$0x1EE80] =	vst v63  }
0xbb: {  	s31 =	sadd.s32 $0xFFFFFF00, s8;
	_ =	swait.ge @!p3 [sflag:s6], $0x4000  }
0xbc: {  	s2 =	sand.u32 $0x380, s31;
	[sflag:s6] =	ssyncset.done @!p3 $0x0  }
0xbd: {  	s2 =	sadd.s32 s2, s7;
	[sflag:s6] =	ssyncadd.s32 @!p3 $0xFFFFC000  }
0xbe: {  	[tilespmem:s22], [sflag:$0x7] =	stream.indirect.gather [spmem:s5], $0x80, s2, s10, $0xb8;
	[tilespmem:$0x1EE80] =	vst v63  }
0xbf: {  	_ =	swait.ge [sflag:s23], $0x4000  }
0xc0: {  	[sflag:s23] =	ssyncset.done $0x0  }
0xc1: {  	s7 =	sadd.s32 $0xC80, s0;
	s6 =	simm.s32 @!p3 $0x10;
	[sflag:s23] =	ssyncadd.s32 $0xFFFFC000  }
0xc2: {  	[hbm4b:s7+s3] =	stream.linear.scatter [tilespmem:s17], [sflag:$0xB], $0x4000, $0x38;
	[tilespmem:$0x1EE80] =	vst v63  }
0xc3: {  	_ =	swait.ge @!p3 [sflag:s6], $0x2400  }
0xc4: {  	[sflag:s6] =	ssyncset.done @!p3 $0x0  }
0xc5: {  	s2 =	sadd.s32 $0x400, s2;
	[sflag:s6] =	ssyncadd.s32 @!p3 $0xFFFFDC00  }
0xc6: {  	[tilespmem:s24], [sflag:$0x8] =	stream.indirect.gather [spmem:s5], $0x80, s2, s12, $0xb8;
	[tilespmem:$0x1EE80] =	vst v63  }
0xc7: {  	p1 =	seq.s32 s9, $0x15E00;
	_ =	swait.ge [sflag:s25], $0x2400  }
0xc8: {  	s4 =	simm.s32 @!p1 $0x5E80;
	s11 =	sadd.s32 $0x1480, s0;
	[sflag:s25] =	ssyncset.done $0x0  }
0xc9: {  	s7 =	simm.s32 $0x10280;
	s6 =	simm.s32 @!p1 $0x9;
	[sflag:s25] =	ssyncadd.s32 $0xFFFFDC00  }
0xca: {  	[hbm4b:s11+s3] =	stream.linear.scatter [tilespmem:s7], [sflag:$0xC], $0x2400, $0x38;
	[tilespmem:$0x1EE80] =	vst v63  }
0xcb: {  	s2 =	sadd.s32 @!p1 $0x400, s1;
	s7 =	sadd.s32 @!p1 $0xFFFFFF80, s8;
	_ =	swait.ge @!p1 [sflag:s6], $0x4000  }
0xcc: {  	s2 =	sand.u32 @!p1 $0x3800, s2;
	s7 =	sand.u32 @!p1 $0x200, s7;
	[sflag:s6] =	ssyncset.done @!p1 $0x0  }
0xcd: {  	s2 =	sor.u32 @!p1 s7, s2;
	[sflag:s6] =	ssyncadd.s32 @!p1 $0xFFFFC000;
	s6 =	simm.s32 @!p1 $0x80  }
0xce: {  	[tilespmem:s4], [sflag:$0x1] =	stream.indirect.gather @!p1 [spmem:s5], $0x80, s2, s6, $0xb8;
	[tilespmem:$0x1EE80] =	vst v63  }
0xcf: {  	_ =	swait.ge [sflag:s26], $0x4000  }
0xd0: {  	[sflag:s26] =	ssyncset.done $0x0  }
0xd1: {  	s13 =	sadd.s32 $0x1900, s0;
	s7 =	simm.s32 @!p1 $0xA;
	[sflag:s26] =	ssyncadd.s32 $0xFFFFC000  }
0xd2: {  	[hbm4b:s13+s3] =	stream.linear.scatter [tilespmem:s18], [sflag:$0xD], $0x4000, $0x38;
	[tilespmem:$0x1EE80] =	vst v63  }
0xd3: {  	_ =	swait.ge @!p1 [sflag:s7], $0x2400  }
0xd4: {  	s2 =	sor.u32 @!p1 $0x400, s2;
	[sflag:s7] =	ssyncset.done @!p1 $0x0  }
0xd5: {  	s4 =	simm.s32 @!p1 $0x48;
	[sflag:s7] =	ssyncadd.s32 @!p1 $0xFFFFDC00;
	s7 =	simm.s32 @!p1 $0x9E80  }
0xd6: {  	[tilespmem:s7], [sflag:$0x2] =	stream.indirect.gather @!p1 [spmem:s5], $0x80, s2, s4, $0xb8;
	[tilespmem:$0x1EE80] =	vst v63  }
0xd7: {  	_ =	swait.ge [sflag:s28], $0x2400  }
0xd8: {  	[sflag:s28] =	ssyncset.done $0x0  }
0xd9: {  	s16 =	sadd.s32 $0x2100, s0;
	s2 =	simm.s32 @!p1 $0xB;
	[sflag:s28] =	ssyncadd.s32 $0xFFFFDC00  }
0xda: {  	[hbm4b:s16+s3] =	stream.linear.scatter [tilespmem:s20], [sflag:$0xE], $0x2400, $0x38;
	[tilespmem:$0x1EE80] =	vst v63  }
0xdb: {  	s1 =	sadd.s32 @!p1 $0x500, s1;
	_ =	swait.ge @!p1 [sflag:s2], $0x4000  }
0xdc: {  	s1 =	sand.u32 @!p1 $0x3800, s1;
	s7 =	sand.u32 @!p1 $0x280, s8;
	[sflag:s2] =	ssyncset.done @!p1 $0x0  }
0xdd: {  	s1 =	sor.u32 @!p1 s7, s1;
	[sflag:s2] =	ssyncadd.s32 @!p1 $0xFFFFC000;
	s2 =	simm.s32 @!p1 $0xC280  }
0xde: {  	[tilespmem:s2], [sflag:$0x3] =	stream.indirect.gather @!p1 [spmem:s5], $0x80, s1, s6, $0xb8;
	[tilespmem:$0x1EE80] =	vst v63  }
0xdf: {  	_ =	swait.ge [sflag:s29], $0x4000  }
0xe0: {  	[sflag:s29] =	ssyncset.done $0x0  }
0xe1: {  	s31 =	sadd.s32 $0x2580, s0;
	s2 =	simm.s32 @!p1 $0xC;
	[sflag:s29] =	ssyncadd.s32 $0xFFFFC000  }
0xe2: {  	[hbm4b:s31+s3] =	stream.linear.scatter [tilespmem:s22], [sflag:$0xF], $0x4000, $0x38;
	[tilespmem:$0x1EE80] =	vst v63  }
0xe3: {  	_ =	swait.ge @!p1 [sflag:s2], $0x2400  }
0xe4: {  	[sflag:s2] =	ssyncset.done @!p1 $0x0  }
0xe5: {  	s1 =	sor.u32 @!p1 $0x400, s1;
	[sflag:s2] =	ssyncadd.s32 @!p1 $0xFFFFDC00;
	s2 =	simm.s32 @!p1 $0x10280  }
0xe6: {  	[tilespmem:s2], [sflag:$0x4] =	stream.indirect.gather @!p1 [spmem:s5], $0x80, s1, s4, $0xb8;
	[tilespmem:$0x1EE80] =	vst v63  }
0xe7: {  	_ =	swait.ge [sflag:s30], $0x2400  }
0xe8: {  	[sflag:s30] =	ssyncset.done $0x0  }
0xe9: {  	s0 =	sadd.s32 $0x2D80, s0;
	s2 =	simm.s32 $0x9;
	[sflag:s30] =	ssyncadd.s32 $0xFFFFDC00  }
0xea: {  	[hbm4b:s0+s3] =	stream.linear.scatter [tilespmem:s24], [sflag:$0x10], $0x2400, $0x38;
	[tilespmem:$0x1EE80] =	vst v63  }
0xeb: {  	_ =	swait.ge [sflag:s2], $0x4000  }
0xec: {  	[sflag:s2] =	ssyncset.done $0x0  }
0xed: {  	s4 =	simm.s32 $0xA;
	[sflag:s2] =	ssyncadd.s32 $0xFFFFC000  }
0xee: {  	_ =	swait.ge [sflag:s4], $0x2400  }
0xef: {  	[sflag:s4] =	ssyncset.done $0x0  }
0xf0: {  	s6 =	simm.s32 $0xB;
	[sflag:s4] =	ssyncadd.s32 $0xFFFFDC00  }
0xf1: {  	_ =	swait.ge [sflag:s6], $0x4000  }
0xf2: {  	[sflag:s6] =	ssyncset.done $0x0  }
0xf3: {  	s7 =	simm.s32 $0xC;
	[sflag:s6] =	ssyncadd.s32 $0xFFFFC000  }
0xf4: {  	_ =	swait.ge [sflag:s7], $0x2400  }
0xf5: {  	[sflag:s7] =	ssyncset.done $0x0  }
0xf6: {  	s8 =	simm.s32 $0xD;
	[sflag:s7] =	ssyncadd.s32 $0xFFFFDC00  }
0xf7: {  	_ =	swait.ge [sflag:s8], $0x4000  }
0xf8: {  	[sflag:s8] =	ssyncset.done $0x0  }
0xf9: {  	s9 =	simm.s32 $0xE;
	[sflag:s8] =	ssyncadd.s32 $0xFFFFC000  }
0xfa: {  	_ =	swait.ge [sflag:s9], $0x2400  }
0xfb: {  	[sflag:s9] =	ssyncset.done $0x0  }
0xfc: {  	s11 =	simm.s32 $0xF;
	[sflag:s9] =	ssyncadd.s32 $0xFFFFDC00  }
0xfd: {  	_ =	swait.ge [sflag:s11], $0x4000  }
0xfe: {  	[sflag:s11] =	ssyncset.done $0x0  }
0xff: {  	s13 =	simm.s32 $0x10;
	[sflag:s11] =	ssyncadd.s32 $0xFFFFC000  }
0x100: {  	_ =	swait.ge [sflag:s13], $0x2400  }
0x101: {  	s16 =	rddreg [dreg:$0xa]  }
0x102: {  	s31 =	rddreg [dreg:$0x7];
	s2 =	sadd.s32 $0x1, s16  }
0x103: {  	p1 =	sne.s32 s2, s31  }
.Ltmp1:
0x104: {  	_ = 	snop;
	(pc) =	sbr.rel @p1 .LBB2_1-.Ltmp1, $3  }
0x105: {  	_ =	sdelay $0x1  }
0x106: {  	[sflag:s13] =	ssyncset.done $0x0  }
0x107: {  	[sflag:s13] =	ssyncadd.s32 $0xFFFFDC00  }
0x108: {  	_ =	sfence.sel $0x180000  }
0x109: {  	[bflag:$0x0] =	sbarrier.arrive $0xFFFF  }
0x10a: {  	_ =	strace $0x90000047  }
0x10b: {  	s0 =	stileid.u32;
	[bflag:$0x2] =	sbarrier.arrive $0xFFFF  }
0x10c: {  	p0 =	sne.s32 s0, $0x0;
	s0 =	rddreg [dreg:$0x4]  }
0x10d: {  	s0 =	sadd.s32 @!p0 $0x100000, s0  }
0x10e: {  	[sflag:s0] =	ssyncadd.tile.s32 @!p0 $0x1;
	_ =	shalt  }
.Lfunc_end2:
_tile_overlayer_lowered:
.L_overlay_start_2:
0x10f: {  	(tag) =	ssettag $0x2  }
0x110: {  	s0 =	rddreg [dreg:$0x0];
	s2 =	stileid.u32  }
0x111: {  	s1 =	rddreg [dreg:$0x1];
	p0 =	sne.s32 s2, $0x0  }
0x112: {  	s3 =	rddreg [dreg:$0x2];
	[bflag:$0x3] =	sbarrier.arrive $0xFFFF;
	s2 =	simm.s32 @!p0 $0x1C11  }
0x113: {  	[timem:s3], [sflag:s2] =	dma.local @!p0 [hbm:s0], s1  }
0x114: {  	s0 =	simm.s32 @!p0 $0x11  }
0x115: {  	_ =	swait.ge @!p0 [sflag:s0], s1  }
0x116: {  	s1 =	ssub.s32 @!p0 $0x0, s1;
	[sflag:s0] =	ssyncset.done @!p0 $0x0  }
0x117: {  	[sflag:s0] =	ssyncadd.s32 @!p0 s1  }
0x118: {  	[bflag:$0x3] =	sbarrier.arrive $0xFFFF  }
0x119: {  	_ =	shalt  }

</sc_bundles>
